<compile_context>
chip_gen: v7x
topology: tpu7x:2x2x1
jax: 0.10.2.dev20260603
libtpu: 0.0.44.dev20260713+nightly
codegen_flags: <defaults>
</compile_context>

<pallas_src>
import jax
import jax.numpy as jnp
from jax import lax
from jax.experimental import pallas as pl
from jax.experimental.pallas import tpu as pltpu
from jax.experimental.pallas import tpu_sc as plsc

NC = 2
NS = 16
LANES = 16

B = 4
L = 4096
D = 128
NW = NC * NS
POS_W = L // NW
NBUF = 3


def _emb_body(x_hbm, wt_hbm, pos_hbm, out_hbm,
              idx_v, pos_v, w0_v, w1_v, w2_v,
              sem_i0, sem_i1, sem_i2, sem_i3, sem_p,
              sem_g0, sem_g1, sem_g2, sem_s0, sem_s1, sem_s2):
    wid = lax.axis_index("s") * NC + lax.axis_index("c")
    p0 = wid * POS_W

    word_bufs = (w0_v, w1_v, w2_v)
    isems = (sem_i0, sem_i1, sem_i2, sem_i3)
    gsems = (sem_g0, sem_g1, sem_g2)
    ssems = (sem_s0, sem_s1, sem_s2)

    pos_cp = pltpu.async_copy(pos_hbm.at[pl.ds(p0, POS_W)], pos_v, sem_p)
    idx_cps = [
        pltpu.async_copy(x_hbm.at[b, pl.ds(p0, POS_W)],
                         idx_v.at[pl.ds(b * POS_W, POS_W)], isems[b])
        for b in range(B)
    ]

    def fire_gather(b):
        idx_cps[b].wait()
        return pltpu.async_copy(
            wt_hbm.at[idx_v.at[pl.ds(b * POS_W, POS_W)]],
            word_bufs[b % NBUF], gsems[b % NBUF])

    gathers = [None] * B
    stores = [None] * B
    gathers[0] = fire_gather(0)
    gathers[1] = fire_gather(1)

    pos_cp.wait()

    for b in range(B):
        buf = b % NBUF
        gathers[b].wait()
        if b + 2 < B:
            if stores[b - 1] is not None:
                stores[b - 1].wait()
            gathers[b + 2] = fire_gather(b + 2)

        word_v = word_bufs[buf]

        def row(r, rc):
            for j in range(D // LANES):
                sl = pl.ds(j * LANES, LANES)
                word_v[r, sl] = word_v[r, sl] + pos_v[r, sl]
            return rc

        if b < B - 1:
            lax.fori_loop(0, POS_W, row, 0)
            stores[b] = pltpu.async_copy(
                word_v, out_hbm.at[b, pl.ds(p0, POS_W)], ssems[buf])
        else:
            half = POS_W // 2
            lax.fori_loop(0, half, row, 0)
            first_half = pltpu.async_copy(
                word_v.at[pl.ds(0, half)],
                out_hbm.at[b, pl.ds(p0, half)], sem_i0)
            lax.fori_loop(half, POS_W, row, 0)
            stores[b] = pltpu.async_copy(
                word_v.at[pl.ds(half, half)],
                out_hbm.at[b, pl.ds(p0 + half, half)], ssems[buf])
            first_half.wait()

    stores[B - 3].wait()
    stores[B - 2].wait()
    stores[B - 1].wait()


_emb = pl.kernel(
    _emb_body,
    out_type=jax.ShapeDtypeStruct((B, L, D), jnp.float32),
    mesh=plsc.VectorSubcoreMesh(
        core_axis_name="c", subcore_axis_name="s", num_cores=NC, num_subcores=NS
    ),
    scratch_types=[
        pltpu.VMEM((B * POS_W,), jnp.int32),
        pltpu.VMEM((POS_W, D), jnp.float32),
        pltpu.VMEM((POS_W, D), jnp.float32),
        pltpu.VMEM((POS_W, D), jnp.float32),
        pltpu.VMEM((POS_W, D), jnp.float32),
    ] + [pltpu.SemaphoreType.DMA] * 11,
)


def kernel(x, word_table, pos_table):
    return _emb(x.astype(jnp.int32), word_table, pos_table)

# --- scband reference (transcript-rebuilt; emitter-appended) ---
"""Pipeline reference for scband-embeddings-66365834658173 (READ-ONLY COPY).

The authoritative reference and input builder live on the scoring server;
editing this copy changes nothing except your own understanding.
"""

import jax, jax.numpy as jnp
import numpy as np

VOCAB = 1000000
D_MODEL = 128
MAX_POS = 4096
B = 4
L = 4096


def setup_inputs(seed: int = 0) -> dict:
    key = jax.random.key(seed)
    k1, k2, k3 = jax.random.split(key, 3)
    x = jax.random.randint(k1, (B, L), 0, VOCAB, dtype=jnp.int64 if jax.config.jax_enable_x64 else jnp.int32)
    word_table = jax.random.normal(k2, (VOCAB, D_MODEL), dtype=jnp.float32) * 0.02
    pos_table = jax.random.normal(k3, (MAX_POS, D_MODEL), dtype=jnp.float32) * 0.02
    return {"x": x, "word_table": word_table, "pos_table": pos_table}


def reference(x, word_table, pos_table):
    # Embeddings.call: word embedding lookup + position embedding lookup.
    # Dropout layers are identity at inference time.
    seq_len = x.shape[1]
    position_ids = jnp.broadcast_to(jnp.arange(seq_len), x.shape)
    word_emb = jnp.take(word_table, x, axis=0)
    pos_emb = jnp.take(pos_table, position_ids, axis=0)
    return word_emb + pos_emb

if __name__ == "__main__":
    import jax
    _d = setup_inputs()
    print(jax.jit(kernel)(*tuple(_d.values())))

</pallas_src>

<mosaic_0001>
#map = affine_map<(d0, d1) -> (0, 0)>
#map1 = affine_map<(d0, d1) -> (0, 0, 0)>
module attributes {stable_mosaic.version = 14 : i64} {
  func.func @_emb_body(%arg0: i32, %arg1: i32, %arg2: memref<4x4096xi32, #tpu.memory_space<hbm>>, %arg3: memref<1000000x128xf32, #tpu.memory_space<hbm>>, %arg4: memref<4096x128xf32, #tpu.memory_space<hbm>>, %arg5: memref<4x4096x128xf32, #tpu.memory_space<hbm>>, %arg6: memref<512xi32, #tpu.memory_space<vmem>>, %arg7: memref<128x128xf32, #tpu.memory_space<vmem>>, %arg8: memref<128x128xf32, #tpu.memory_space<vmem>>, %arg9: memref<128x128xf32, #tpu.memory_space<vmem>>, %arg10: memref<128x128xf32, #tpu.memory_space<vmem>>, %arg11: memref<!tpu.dma_semaphore, #tpu.memory_space<semaphore_mem>>, %arg12: memref<!tpu.dma_semaphore, #tpu.memory_space<semaphore_mem>>, %arg13: memref<!tpu.dma_semaphore, #tpu.memory_space<semaphore_mem>>, %arg14: memref<!tpu.dma_semaphore, #tpu.memory_space<semaphore_mem>>, %arg15: memref<!tpu.dma_semaphore, #tpu.memory_space<semaphore_mem>>, %arg16: memref<!tpu.dma_semaphore, #tpu.memory_space<semaphore_mem>>, %arg17: memref<!tpu.dma_semaphore, #tpu.memory_space<semaphore_mem>>, %arg18: memref<!tpu.dma_semaphore, #tpu.memory_space<semaphore_mem>>, %arg19: memref<!tpu.dma_semaphore, #tpu.memory_space<semaphore_mem>>, %arg20: memref<!tpu.dma_semaphore, #tpu.memory_space<semaphore_mem>>, %arg21: memref<!tpu.dma_semaphore, #tpu.memory_space<semaphore_mem>>) attributes {dimension_semantics = [#tpu.dimension_semantics<core_parallel>, #tpu.dimension_semantics<subcore_parallel>], iteration_bounds = array<i64: 2, 16>, scalar_prefetch = 0 : i64, scratch_operands = 16 : i64, tpu.core_type = #tpu.core_type<sc_vector_subcore>, window_params = [{transform_indices = #map}, {transform_indices = #map}, {transform_indices = #map}, {transform_indices = #map1}]} {
    %mul3A = arith.constant 2 : i32
    %mul3A_0 = arith.muli %arg1, %mul3A : i32
    %add3A = arith.addi %mul3A_0, %arg0 : i32
    %mul3A_1 = arith.constant 128 : i32
    %mul3A_2 = arith.muli %add3A, %mul3A_1 : i32
    %dma_start3A = arith.constant 0 : i32
    %dma_start3A_3 = tpu.memref_slice %arg4[%mul3A_2, %dma_start3A] : memref<4096x128xf32, #tpu.memory_space<hbm>> -> memref<128x128xf32, #tpu.memory_space<hbm>>
    %dma_start3A_4 = arith.constant 0 : i32
    %dma_start3A_5 = tpu.memref_slice %arg4[%mul3A_2, %dma_start3A_4] : memref<4096x128xf32, #tpu.memory_space<hbm>> -> memref<128x128xf32, #tpu.memory_space<hbm>>
    tpu.enqueue_dma source(%dma_start3A_5 : memref<128x128xf32, #tpu.memory_space<hbm>>) target(%arg7 : memref<128x128xf32, #tpu.memory_space<vmem>>) target_semaphore(%arg15 : memref<!tpu.dma_semaphore, #tpu.memory_space<semaphore_mem>>)
    %dma_start3A_6 = arith.constant 0 : i32
    %dma_start3A_7 = arith.constant 0 : i32
    %dma_start3A_8 = tpu.memref_slice %arg6[%dma_start3A_7] : memref<512xi32, #tpu.memory_space<vmem>> -> memref<128xi32, #tpu.memory_space<vmem>>
    %dma_start3A_9 = tpu.memref_slice %arg2[%dma_start3A_6, %mul3A_2] : memref<4x4096xi32, #tpu.memory_space<hbm>> -> memref<1x128xi32, #tpu.memory_space<hbm>>
    %dma_start3A_10 = tpu.memref_squeeze %dma_start3A_9 : memref<1x128xi32, #tpu.memory_space<hbm>> -> memref<128xi32, #tpu.memory_space<hbm>>
    %dma_start3A_11 = arith.constant 0 : i32
    %dma_start3A_12 = tpu.memref_slice %arg6[%dma_start3A_11] : memref<512xi32, #tpu.memory_space<vmem>> -> memref<128xi32, #tpu.memory_space<vmem>>
    %dma_start3A_13 = tpu.memref_slice %arg2[%dma_start3A_6, %mul3A_2] : memref<4x4096xi32, #tpu.memory_space<hbm>> -> memref<1x128xi32, #tpu.memory_space<hbm>>
    %dma_start3A_14 = tpu.memref_squeeze %dma_start3A_13 : memref<1x128xi32, #tpu.memory_space<hbm>> -> memref<128xi32, #tpu.memory_space<hbm>>
    tpu.enqueue_dma source(%dma_start3A_14 : memref<128xi32, #tpu.memory_space<hbm>>) target(%dma_start3A_12 : memref<128xi32, #tpu.memory_space<vmem>>) target_semaphore(%arg11 : memref<!tpu.dma_semaphore, #tpu.memory_space<semaphore_mem>>)
    %dma_start3A_15 = arith.constant 1 : i32
    %dma_start3A_16 = arith.constant 128 : i32
    %dma_start3A_17 = tpu.memref_slice %arg6[%dma_start3A_16] : memref<512xi32, #tpu.memory_space<vmem>> -> memref<128xi32, #tpu.memory_space<vmem>>
    %dma_start3A_18 = tpu.memref_slice %arg2[%dma_start3A_15, %mul3A_2] : memref<4x4096xi32, #tpu.memory_space<hbm>> -> memref<1x128xi32, #tpu.memory_space<hbm>>
    %dma_start3A_19 = tpu.memref_squeeze %dma_start3A_18 : memref<1x128xi32, #tpu.memory_space<hbm>> -> memref<128xi32, #tpu.memory_space<hbm>>
    %dma_start3A_20 = arith.constant 128 : i32
    %dma_start3A_21 = tpu.memref_slice %arg6[%dma_start3A_20] : memref<512xi32, #tpu.memory_space<vmem>> -> memref<128xi32, #tpu.memory_space<vmem>>
    %dma_start3A_22 = tpu.memref_slice %arg2[%dma_start3A_15, %mul3A_2] : memref<4x4096xi32, #tpu.memory_space<hbm>> -> memref<1x128xi32, #tpu.memory_space<hbm>>
    %dma_start3A_23 = tpu.memref_squeeze %dma_start3A_22 : memref<1x128xi32, #tpu.memory_space<hbm>> -> memref<128xi32, #tpu.memory_space<hbm>>
    tpu.enqueue_dma source(%dma_start3A_23 : memref<128xi32, #tpu.memory_space<hbm>>) target(%dma_start3A_21 : memref<128xi32, #tpu.memory_space<vmem>>) target_semaphore(%arg12 : memref<!tpu.dma_semaphore, #tpu.memory_space<semaphore_mem>>)
    %dma_start3A_24 = arith.constant 2 : i32
    %dma_start3A_25 = arith.constant 256 : i32
    %dma_start3A_26 = tpu.memref_slice %arg6[%dma_start3A_25] : memref<512xi32, #tpu.memory_space<vmem>> -> memref<128xi32, #tpu.memory_space<vmem>>
    %dma_start3A_27 = tpu.memref_slice %arg2[%dma_start3A_24, %mul3A_2] : memref<4x4096xi32, #tpu.memory_space<hbm>> -> memref<1x128xi32, #tpu.memory_space<hbm>>
    %dma_start3A_28 = tpu.memref_squeeze %dma_start3A_27 : memref<1x128xi32, #tpu.memory_space<hbm>> -> memref<128xi32, #tpu.memory_space<hbm>>
    %dma_start3A_29 = arith.constant 256 : i32
    %dma_start3A_30 = tpu.memref_slice %arg6[%dma_start3A_29] : memref<512xi32, #tpu.memory_space<vmem>> -> memref<128xi32, #tpu.memory_space<vmem>>
    %dma_start3A_31 = tpu.memref_slice %arg2[%dma_start3A_24, %mul3A_2] : memref<4x4096xi32, #tpu.memory_space<hbm>> -> memref<1x128xi32, #tpu.memory_space<hbm>>
    %dma_start3A_32 = tpu.memref_squeeze %dma_start3A_31 : memref<1x128xi32, #tpu.memory_space<hbm>> -> memref<128xi32, #tpu.memory_space<hbm>>
    tpu.enqueue_dma source(%dma_start3A_32 : memref<128xi32, #tpu.memory_space<hbm>>) target(%dma_start3A_30 : memref<128xi32, #tpu.memory_space<vmem>>) target_semaphore(%arg13 : memref<!tpu.dma_semaphore, #tpu.memory_space<semaphore_mem>>)
    %dma_start3A_33 = arith.constant 3 : i32
    %dma_start3A_34 = arith.constant 384 : i32
    %dma_start3A_35 = tpu.memref_slice %arg6[%dma_start3A_34] : memref<512xi32, #tpu.memory_space<vmem>> -> memref<128xi32, #tpu.memory_space<vmem>>
    %dma_start3A_36 = tpu.memref_slice %arg2[%dma_start3A_33, %mul3A_2] : memref<4x4096xi32, #tpu.memory_space<hbm>> -> memref<1x128xi32, #tpu.memory_space<hbm>>
    %dma_start3A_37 = tpu.memref_squeeze %dma_start3A_36 : memref<1x128xi32, #tpu.memory_space<hbm>> -> memref<128xi32, #tpu.memory_space<hbm>>
    %dma_start3A_38 = arith.constant 384 : i32
    %dma_start3A_39 = tpu.memref_slice %arg6[%dma_start3A_38] : memref<512xi32, #tpu.memory_space<vmem>> -> memref<128xi32, #tpu.memory_space<vmem>>
    %dma_start3A_40 = tpu.memref_slice %arg2[%dma_start3A_33, %mul3A_2] : memref<4x4096xi32, #tpu.memory_space<hbm>> -> memref<1x128xi32, #tpu.memory_space<hbm>>
    %dma_start3A_41 = tpu.memref_squeeze %dma_start3A_40 : memref<1x128xi32, #tpu.memory_space<hbm>> -> memref<128xi32, #tpu.memory_space<hbm>>
    tpu.enqueue_dma source(%dma_start3A_41 : memref<128xi32, #tpu.memory_space<hbm>>) target(%dma_start3A_39 : memref<128xi32, #tpu.memory_space<vmem>>) target_semaphore(%arg14 : memref<!tpu.dma_semaphore, #tpu.memory_space<semaphore_mem>>)
    %dma_wait3A = arith.constant 0 : i32
    %dma_wait3A_42 = arith.constant 0 : i32
    %dma_wait3A_43 = tpu.memref_slice %arg6[%dma_wait3A_42] : memref<512xi32, #tpu.memory_space<vmem>> -> memref<128xi32, #tpu.memory_space<vmem>>
    %dma_wait3A_44 = tpu.memref_slice %arg2[%dma_wait3A, %mul3A_2] : memref<4x4096xi32, #tpu.memory_space<hbm>> -> memref<1x128xi32, #tpu.memory_space<hbm>>
    %dma_wait3A_45 = tpu.memref_squeeze %dma_wait3A_44 : memref<1x128xi32, #tpu.memory_space<hbm>> -> memref<128xi32, #tpu.memory_space<hbm>>
    %dma_wait3A_46 = arith.constant 0 : i32
    %dma_wait3A_47 = tpu.memref_slice %arg6[%dma_wait3A_46] : memref<512xi32, #tpu.memory_space<vmem>> -> memref<128xi32, #tpu.memory_space<vmem>>
    %dma_wait3A_48 = tpu.memref_slice %arg2[%dma_wait3A, %mul3A_2] : memref<4x4096xi32, #tpu.memory_space<hbm>> -> memref<1x128xi32, #tpu.memory_space<hbm>>
    %dma_wait3A_49 = tpu.memref_squeeze %dma_wait3A_48 : memref<1x128xi32, #tpu.memory_space<hbm>> -> memref<128xi32, #tpu.memory_space<hbm>>
    tpu.wait_dma2 semaphore(%arg11 : memref<!tpu.dma_semaphore, #tpu.memory_space<semaphore_mem>>) src(%dma_wait3A_49 : memref<128xi32, #tpu.memory_space<hbm>>) dst(%dma_wait3A_47 : memref<128xi32, #tpu.memory_space<vmem>>)
    %dma_start3A_50 = arith.constant 0 : i32
    %dma_start3A_51 = tpu.memref_slice %arg6[%dma_start3A_50] : memref<512xi32, #tpu.memory_space<vmem>> -> memref<128xi32, #tpu.memory_space<vmem>>
    %dma_start3A_52 = arith.constant 0 : i32
    %dma_start3A_53 = arith.constant 0 : i32
    %dma_start3A_54 = tpu.memref_slice %arg3[%dma_start3A_52, %dma_start3A_53] : memref<1000000x128xf32, #tpu.memory_space<hbm>> -> memref<1000000x128xf32, #tpu.memory_space<hbm>>
    tpu.enqueue_indirect_dma source(%dma_start3A_54 : memref<1000000x128xf32, #tpu.memory_space<hbm>>) target(%arg8 : memref<128x128xf32, #tpu.memory_space<vmem>>) offsets(%dma_start3A_51 : memref<128xi32, #tpu.memory_space<vmem>>) semaphore(%arg16 : memref<!tpu.dma_semaphore, #tpu.memory_space<semaphore_mem>>)
    %dma_wait3A_55 = arith.constant 1 : i32
    %dma_wait3A_56 = arith.constant 128 : i32
    %dma_wait3A_57 = tpu.memref_slice %arg6[%dma_wait3A_56] : memref<512xi32, #tpu.memory_space<vmem>> -> memref<128xi32, #tpu.memory_space<vmem>>
    %dma_wait3A_58 = tpu.memref_slice %arg2[%dma_wait3A_55, %mul3A_2] : memref<4x4096xi32, #tpu.memory_space<hbm>> -> memref<1x128xi32, #tpu.memory_space<hbm>>
    %dma_wait3A_59 = tpu.memref_squeeze %dma_wait3A_58 : memref<1x128xi32, #tpu.memory_space<hbm>> -> memref<128xi32, #tpu.memory_space<hbm>>
    %dma_wait3A_60 = arith.constant 128 : i32
    %dma_wait3A_61 = tpu.memref_slice %arg6[%dma_wait3A_60] : memref<512xi32, #tpu.memory_space<vmem>> -> memref<128xi32, #tpu.memory_space<vmem>>
    %dma_wait3A_62 = tpu.memref_slice %arg2[%dma_wait3A_55, %mul3A_2] : memref<4x4096xi32, #tpu.memory_space<hbm>> -> memref<1x128xi32, #tpu.memory_space<hbm>>
    %dma_wait3A_63 = tpu.memref_squeeze %dma_wait3A_62 : memref<1x128xi32, #tpu.memory_space<hbm>> -> memref<128xi32, #tpu.memory_space<hbm>>
    tpu.wait_dma2 semaphore(%arg12 : memref<!tpu.dma_semaphore, #tpu.memory_space<semaphore_mem>>) src(%dma_wait3A_63 : memref<128xi32, #tpu.memory_space<hbm>>) dst(%dma_wait3A_61 : memref<128xi32, #tpu.memory_space<vmem>>)
    %dma_start3A_64 = arith.constant 128 : i32
    %dma_start3A_65 = tpu.memref_slice %arg6[%dma_start3A_64] : memref<512xi32, #tpu.memory_space<vmem>> -> memref<128xi32, #tpu.memory_space<vmem>>
    %dma_start3A_66 = arith.constant 0 : i32
    %dma_start3A_67 = arith.constant 0 : i32
    %dma_start3A_68 = tpu.memref_slice %arg3[%dma_start3A_66, %dma_start3A_67] : memref<1000000x128xf32, #tpu.memory_space<hbm>> -> memref<1000000x128xf32, #tpu.memory_space<hbm>>
    tpu.enqueue_indirect_dma source(%dma_start3A_68 : memref<1000000x128xf32, #tpu.memory_space<hbm>>) target(%arg9 : memref<128x128xf32, #tpu.memory_space<vmem>>) offsets(%dma_start3A_65 : memref<128xi32, #tpu.memory_space<vmem>>) semaphore(%arg17 : memref<!tpu.dma_semaphore, #tpu.memory_space<semaphore_mem>>)
    %dma_wait3A_69 = arith.constant 0 : i32
    %dma_wait3A_70 = tpu.memref_slice %arg4[%mul3A_2, %dma_wait3A_69] : memref<4096x128xf32, #tpu.memory_space<hbm>> -> memref<128x128xf32, #tpu.memory_space<hbm>>
    %dma_wait3A_71 = arith.constant 0 : i32
    %dma_wait3A_72 = tpu.memref_slice %arg4[%mul3A_2, %dma_wait3A_71] : memref<4096x128xf32, #tpu.memory_space<hbm>> -> memref<128x128xf32, #tpu.memory_space<hbm>>
    tpu.wait_dma2 semaphore(%arg15 : memref<!tpu.dma_semaphore, #tpu.memory_space<semaphore_mem>>) src(%dma_wait3A_72 : memref<128x128xf32, #tpu.memory_space<hbm>>) dst(%arg7 : memref<128x128xf32, #tpu.memory_space<vmem>>)
    %dma_wait3A_73 = arith.constant 0 : i32
    %dma_wait3A_74 = tpu.memref_slice %arg6[%dma_wait3A_73] : memref<512xi32, #tpu.memory_space<vmem>> -> memref<128xi32, #tpu.memory_space<vmem>>
    %dma_wait3A_75 = arith.constant 0 : i32
    %dma_wait3A_76 = arith.constant 0 : i32
    %dma_wait3A_77 = tpu.memref_slice %arg3[%dma_wait3A_75, %dma_wait3A_76] : memref<1000000x128xf32, #tpu.memory_space<hbm>> -> memref<1000000x128xf32, #tpu.memory_space<hbm>>
    tpu.wait_indirect_dma semaphore(%arg16 : memref<!tpu.dma_semaphore, #tpu.memory_space<semaphore_mem>>) src(%dma_wait3A_77 : memref<1000000x128xf32, #tpu.memory_space<hbm>>) dst(%arg8 : memref<128x128xf32, #tpu.memory_space<vmem>>)
    %dma_wait3A_78 = arith.constant 2 : i32
    %dma_wait3A_79 = arith.constant 256 : i32
    %dma_wait3A_80 = tpu.memref_slice %arg6[%dma_wait3A_79] : memref<512xi32, #tpu.memory_space<vmem>> -> memref<128xi32, #tpu.memory_space<vmem>>
    %dma_wait3A_81 = tpu.memref_slice %arg2[%dma_wait3A_78, %mul3A_2] : memref<4x4096xi32, #tpu.memory_space<hbm>> -> memref<1x128xi32, #tpu.memory_space<hbm>>
    %dma_wait3A_82 = tpu.memref_squeeze %dma_wait3A_81 : memref<1x128xi32, #tpu.memory_space<hbm>> -> memref<128xi32, #tpu.memory_space<hbm>>
    %dma_wait3A_83 = arith.constant 256 : i32
    %dma_wait3A_84 = tpu.memref_slice %arg6[%dma_wait3A_83] : memref<512xi32, #tpu.memory_space<vmem>> -> memref<128xi32, #tpu.memory_space<vmem>>
    %dma_wait3A_85 = tpu.memref_slice %arg2[%dma_wait3A_78, %mul3A_2] : memref<4x4096xi32, #tpu.memory_space<hbm>> -> memref<1x128xi32, #tpu.memory_space<hbm>>
    %dma_wait3A_86 = tpu.memref_squeeze %dma_wait3A_85 : memref<1x128xi32, #tpu.memory_space<hbm>> -> memref<128xi32, #tpu.memory_space<hbm>>
    tpu.wait_dma2 semaphore(%arg13 : memref<!tpu.dma_semaphore, #tpu.memory_space<semaphore_mem>>) src(%dma_wait3A_86 : memref<128xi32, #tpu.memory_space<hbm>>) dst(%dma_wait3A_84 : memref<128xi32, #tpu.memory_space<vmem>>)
    %dma_start3A_87 = arith.constant 256 : i32
    %dma_start3A_88 = tpu.memref_slice %arg6[%dma_start3A_87] : memref<512xi32, #tpu.memory_space<vmem>> -> memref<128xi32, #tpu.memory_space<vmem>>
    %dma_start3A_89 = arith.constant 0 : i32
    %dma_start3A_90 = arith.constant 0 : i32
    %dma_start3A_91 = tpu.memref_slice %arg3[%dma_start3A_89, %dma_start3A_90] : memref<1000000x128xf32, #tpu.memory_space<hbm>> -> memref<1000000x128xf32, #tpu.memory_space<hbm>>
    tpu.enqueue_indirect_dma source(%dma_start3A_91 : memref<1000000x128xf32, #tpu.memory_space<hbm>>) target(%arg10 : memref<128x128xf32, #tpu.memory_space<vmem>>) offsets(%dma_start3A_88 : memref<128xi32, #tpu.memory_space<vmem>>) semaphore(%arg18 : memref<!tpu.dma_semaphore, #tpu.memory_space<semaphore_mem>>)
    %scan3A = arith.constant 0 : i32
    %scan3A_92 = arith.constant 0 : i32
    %scan3A_93 = arith.constant 128 : i32
    %scan3A_94 = arith.addi %scan3A_92, %scan3A_93 : i32
    %scan3A_95 = arith.constant 1 : i32
    scf.for %scan3A_246 = %scan3A_92 to %scan3A_94 step %scan3A_95  : i32 {
      %get3A = arith.index_cast %scan3A_246 : i32 to index
      %get3A_247 = arith.constant 0 : index
      %get3A_248 = tpu.vector_load %arg8[%get3A, %get3A_247] {strides = array<i32>} : memref<128x128xf32, #tpu.memory_space<vmem>>, vector<1x16xf32>,
      %get3A_249 = vector.shape_cast %get3A_248 : vector<1x16xf32> to vector<16xf32>
      %get3A_250 = arith.index_cast %scan3A_246 : i32 to index
      %get3A_251 = arith.constant 0 : index
      %get3A_252 = tpu.vector_load %arg7[%get3A_250, %get3A_251] {strides = array<i32>} : memref<128x128xf32, #tpu.memory_space<vmem>>, vector<1x16xf32>,
      %get3A_253 = vector.shape_cast %get3A_252 : vector<1x16xf32> to vector<16xf32>
      %add3A_254 = arith.addf %get3A_249, %get3A_253 : vector<16xf32>
      %swap3A = arith.index_cast %scan3A_246 : i32 to index
      %swap3A_255 = arith.constant 0 : index
      %swap3A_256 = tpu.vector_load %arg8[%swap3A, %swap3A_255] {strides = array<i32>} : memref<128x128xf32, #tpu.memory_space<vmem>>, vector<1x16xf32>,
      %swap3A_257 = vector.shape_cast %swap3A_256 : vector<1x16xf32> to vector<16xf32>
      %swap3A_258 = vector.shape_cast %add3A_254 : vector<16xf32> to vector<1x16xf32>
      tpu.vector_store %arg8[%swap3A, %swap3A_255], %swap3A_258 {strides = array<i32>} : memref<128x128xf32, #tpu.memory_space<vmem>>, vector<1x16xf32>,
      %get3A_259 = arith.index_cast %scan3A_246 : i32 to index
      %get3A_260 = arith.constant 16 : index
      %get3A_261 = tpu.vector_load %arg8[%get3A_259, %get3A_260] {strides = array<i32>} : memref<128x128xf32, #tpu.memory_space<vmem>>, vector<1x16xf32>,
      %get3A_262 = vector.shape_cast %get3A_261 : vector<1x16xf32> to vector<16xf32>
      %get3A_263 = arith.index_cast %scan3A_246 : i32 to index
      %get3A_264 = arith.constant 16 : index
      %get3A_265 = tpu.vector_load %arg7[%get3A_263, %get3A_264] {strides = array<i32>} : memref<128x128xf32, #tpu.memory_space<vmem>>, vector<1x16xf32>,
      %get3A_266 = vector.shape_cast %get3A_265 : vector<1x16xf32> to vector<16xf32>
      %add3A_267 = arith.addf %get3A_262, %get3A_266 : vector<16xf32>
      %swap3A_268 = arith.index_cast %scan3A_246 : i32 to index
      %swap3A_269 = arith.constant 16 : index
      %swap3A_270 = tpu.vector_load %arg8[%swap3A_268, %swap3A_269] {strides = array<i32>} : memref<128x128xf32, #tpu.memory_space<vmem>>, vector<1x16xf32>,
      %swap3A_271 = vector.shape_cast %swap3A_270 : vector<1x16xf32> to vector<16xf32>
      %swap3A_272 = vector.shape_cast %add3A_267 : vector<16xf32> to vector<1x16xf32>
      tpu.vector_store %arg8[%swap3A_268, %swap3A_269], %swap3A_272 {strides = array<i32>} : memref<128x128xf32, #tpu.memory_space<vmem>>, vector<1x16xf32>,
      %get3A_273 = arith.index_cast %scan3A_246 : i32 to index
      %get3A_274 = arith.constant 32 : index
      %get3A_275 = tpu.vector_load %arg8[%get3A_273, %get3A_274] {strides = array<i32>} : memref<128x128xf32, #tpu.memory_space<vmem>>, vector<1x16xf32>,
      %get3A_276 = vector.shape_cast %get3A_275 : vector<1x16xf32> to vector<16xf32>
      %get3A_277 = arith.index_cast %scan3A_246 : i32 to index
      %get3A_278 = arith.constant 32 : index
      %get3A_279 = tpu.vector_load %arg7[%get3A_277, %get3A_278] {strides = array<i32>} : memref<128x128xf32, #tpu.memory_space<vmem>>, vector<1x16xf32>,
      %get3A_280 = vector.shape_cast %get3A_279 : vector<1x16xf32> to vector<16xf32>
      %add3A_281 = arith.addf %get3A_276, %get3A_280 : vector<16xf32>
      %swap3A_282 = arith.index_cast %scan3A_246 : i32 to index
      %swap3A_283 = arith.constant 32 : index
      %swap3A_284 = tpu.vector_load %arg8[%swap3A_282, %swap3A_283] {strides = array<i32>} : memref<128x128xf32, #tpu.memory_space<vmem>>, vector<1x16xf32>,
      %swap3A_285 = vector.shape_cast %swap3A_284 : vector<1x16xf32> to vector<16xf32>
      %swap3A_286 = vector.shape_cast %add3A_281 : vector<16xf32> to vector<1x16xf32>
      tpu.vector_store %arg8[%swap3A_282, %swap3A_283], %swap3A_286 {strides = array<i32>} : memref<128x128xf32, #tpu.memory_space<vmem>>, vector<1x16xf32>,
      %get3A_287 = arith.index_cast %scan3A_246 : i32 to index
      %get3A_288 = arith.constant 48 : index
      %get3A_289 = tpu.vector_load %arg8[%get3A_287, %get3A_288] {strides = array<i32>} : memref<128x128xf32, #tpu.memory_space<vmem>>, vector<1x16xf32>,
      %get3A_290 = vector.shape_cast %get3A_289 : vector<1x16xf32> to vector<16xf32>
      %get3A_291 = arith.index_cast %scan3A_246 : i32 to index
      %get3A_292 = arith.constant 48 : index
      %get3A_293 = tpu.vector_load %arg7[%get3A_291, %get3A_292] {strides = array<i32>} : memref<128x128xf32, #tpu.memory_space<vmem>>, vector<1x16xf32>,
      %get3A_294 = vector.shape_cast %get3A_293 : vector<1x16xf32> to vector<16xf32>
      %add3A_295 = arith.addf %get3A_290, %get3A_294 : vector<16xf32>
      %swap3A_296 = arith.index_cast %scan3A_246 : i32 to index
      %swap3A_297 = arith.constant 48 : index
      %swap3A_298 = tpu.vector_load %arg8[%swap3A_296, %swap3A_297] {strides = array<i32>} : memref<128x128xf32, #tpu.memory_space<vmem>>, vector<1x16xf32>,
      %swap3A_299 = vector.shape_cast %swap3A_298 : vector<1x16xf32> to vector<16xf32>
      %swap3A_300 = vector.shape_cast %add3A_295 : vector<16xf32> to vector<1x16xf32>
      tpu.vector_store %arg8[%swap3A_296, %swap3A_297], %swap3A_300 {strides = array<i32>} : memref<128x128xf32, #tpu.memory_space<vmem>>, vector<1x16xf32>,
      %get3A_301 = arith.index_cast %scan3A_246 : i32 to index
      %get3A_302 = arith.constant 64 : index
      %get3A_303 = tpu.vector_load %arg8[%get3A_301, %get3A_302] {strides = array<i32>} : memref<128x128xf32, #tpu.memory_space<vmem>>, vector<1x16xf32>,
      %get3A_304 = vector.shape_cast %get3A_303 : vector<1x16xf32> to vector<16xf32>
      %get3A_305 = arith.index_cast %scan3A_246 : i32 to index
      %get3A_306 = arith.constant 64 : index
      %get3A_307 = tpu.vector_load %arg7[%get3A_305, %get3A_306] {strides = array<i32>} : memref<128x128xf32, #tpu.memory_space<vmem>>, vector<1x16xf32>,
      %get3A_308 = vector.shape_cast %get3A_307 : vector<1x16xf32> to vector<16xf32>
      %add3A_309 = arith.addf %get3A_304, %get3A_308 : vector<16xf32>
      %swap3A_310 = arith.index_cast %scan3A_246 : i32 to index
      %swap3A_311 = arith.constant 64 : index
      %swap3A_312 = tpu.vector_load %arg8[%swap3A_310, %swap3A_311] {strides = array<i32>} : memref<128x128xf32, #tpu.memory_space<vmem>>, vector<1x16xf32>,
      %swap3A_313 = vector.shape_cast %swap3A_312 : vector<1x16xf32> to vector<16xf32>
      %swap3A_314 = vector.shape_cast %add3A_309 : vector<16xf32> to vector<1x16xf32>
      tpu.vector_store %arg8[%swap3A_310, %swap3A_311], %swap3A_314 {strides = array<i32>} : memref<128x128xf32, #tpu.memory_space<vmem>>, vector<1x16xf32>,
      %get3A_315 = arith.index_cast %scan3A_246 : i32 to index
      %get3A_316 = arith.constant 80 : index
      %get3A_317 = tpu.vector_load %arg8[%get3A_315, %get3A_316] {strides = array<i32>} : memref<128x128xf32, #tpu.memory_space<vmem>>, vector<1x16xf32>,
      %get3A_318 = vector.shape_cast %get3A_317 : vector<1x16xf32> to vector<16xf32>
      %get3A_319 = arith.index_cast %scan3A_246 : i32 to index
      %get3A_320 = arith.constant 80 : index
      %get3A_321 = tpu.vector_load %arg7[%get3A_319, %get3A_320] {strides = array<i32>} : memref<128x128xf32, #tpu.memory_space<vmem>>, vector<1x16xf32>,
      %get3A_322 = vector.shape_cast %get3A_321 : vector<1x16xf32> to vector<16xf32>
      %add3A_323 = arith.addf %get3A_318, %get3A_322 : vector<16xf32>
      %swap3A_324 = arith.index_cast %scan3A_246 : i32 to index
      %swap3A_325 = arith.constant 80 : index
      %swap3A_326 = tpu.vector_load %arg8[%swap3A_324, %swap3A_325] {strides = array<i32>} : memref<128x128xf32, #tpu.memory_space<vmem>>, vector<1x16xf32>,
      %swap3A_327 = vector.shape_cast %swap3A_326 : vector<1x16xf32> to vector<16xf32>
      %swap3A_328 = vector.shape_cast %add3A_323 : vector<16xf32> to vector<1x16xf32>
      tpu.vector_store %arg8[%swap3A_324, %swap3A_325], %swap3A_328 {strides = array<i32>} : memref<128x128xf32, #tpu.memory_space<vmem>>, vector<1x16xf32>,
      %get3A_329 = arith.index_cast %scan3A_246 : i32 to index
      %get3A_330 = arith.constant 96 : index
      %get3A_331 = tpu.vector_load %arg8[%get3A_329, %get3A_330] {strides = array<i32>} : memref<128x128xf32, #tpu.memory_space<vmem>>, vector<1x16xf32>,
      %get3A_332 = vector.shape_cast %get3A_331 : vector<1x16xf32> to vector<16xf32>
      %get3A_333 = arith.index_cast %scan3A_246 : i32 to index
      %get3A_334 = arith.constant 96 : index
      %get3A_335 = tpu.vector_load %arg7[%get3A_333, %get3A_334] {strides = array<i32>} : memref<128x128xf32, #tpu.memory_space<vmem>>, vector<1x16xf32>,
      %get3A_336 = vector.shape_cast %get3A_335 : vector<1x16xf32> to vector<16xf32>
      %add3A_337 = arith.addf %get3A_332, %get3A_336 : vector<16xf32>
      %swap3A_338 = arith.index_cast %scan3A_246 : i32 to index
      %swap3A_339 = arith.constant 96 : index
      %swap3A_340 = tpu.vector_load %arg8[%swap3A_338, %swap3A_339] {strides = array<i32>} : memref<128x128xf32, #tpu.memory_space<vmem>>, vector<1x16xf32>,
      %swap3A_341 = vector.shape_cast %swap3A_340 : vector<1x16xf32> to vector<16xf32>
      %swap3A_342 = vector.shape_cast %add3A_337 : vector<16xf32> to vector<1x16xf32>
      tpu.vector_store %arg8[%swap3A_338, %swap3A_339], %swap3A_342 {strides = array<i32>} : memref<128x128xf32, #tpu.memory_space<vmem>>, vector<1x16xf32>,
      %get3A_343 = arith.index_cast %scan3A_246 : i32 to index
      %get3A_344 = arith.constant 112 : index
      %get3A_345 = tpu.vector_load %arg8[%get3A_343, %get3A_344] {strides = array<i32>} : memref<128x128xf32, #tpu.memory_space<vmem>>, vector<1x16xf32>,
      %get3A_346 = vector.shape_cast %get3A_345 : vector<1x16xf32> to vector<16xf32>
      %get3A_347 = arith.index_cast %scan3A_246 : i32 to index
      %get3A_348 = arith.constant 112 : index
      %get3A_349 = tpu.vector_load %arg7[%get3A_347, %get3A_348] {strides = array<i32>} : memref<128x128xf32, #tpu.memory_space<vmem>>, vector<1x16xf32>,
      %get3A_350 = vector.shape_cast %get3A_349 : vector<1x16xf32> to vector<16xf32>
      %add3A_351 = arith.addf %get3A_346, %get3A_350 : vector<16xf32>
      %swap3A_352 = arith.index_cast %scan3A_246 : i32 to index
      %swap3A_353 = arith.constant 112 : index
      %swap3A_354 = tpu.vector_load %arg8[%swap3A_352, %swap3A_353] {strides = array<i32>} : memref<128x128xf32, #tpu.memory_space<vmem>>, vector<1x16xf32>,
      %swap3A_355 = vector.shape_cast %swap3A_354 : vector<1x16xf32> to vector<16xf32>
      %swap3A_356 = vector.shape_cast %add3A_351 : vector<16xf32> to vector<1x16xf32>
      tpu.vector_store %arg8[%swap3A_352, %swap3A_353], %swap3A_356 {strides = array<i32>} : memref<128x128xf32, #tpu.memory_space<vmem>>, vector<1x16xf32>,
    }
    %scan3A_96 = arith.constant 128 : i32
    %dma_start3A_97 = arith.constant 0 : i32
    %dma_start3A_98 = arith.constant 0 : i32
    %dma_start3A_99 = tpu.memref_slice %arg5[%dma_start3A_97, %mul3A_2, %dma_start3A_98] : memref<4x4096x128xf32, #tpu.memory_space<hbm>> -> memref<1x128x128xf32, #tpu.memory_space<hbm>>
    %dma_start3A_100 = tpu.memref_squeeze %dma_start3A_99 : memref<1x128x128xf32, #tpu.memory_space<hbm>> -> memref<128x128xf32, #tpu.memory_space<hbm>>
    %dma_start3A_101 = arith.constant 0 : i32
    %dma_start3A_102 = tpu.memref_slice %arg5[%dma_start3A_97, %mul3A_2, %dma_start3A_101] : memref<4x4096x128xf32, #tpu.memory_space<hbm>> -> memref<1x128x128xf32, #tpu.memory_space<hbm>>
    %dma_start3A_103 = tpu.memref_squeeze %dma_start3A_102 : memref<1x128x128xf32, #tpu.memory_space<hbm>> -> memref<128x128xf32, #tpu.memory_space<hbm>>
    tpu.enqueue_dma source(%arg8 : memref<128x128xf32, #tpu.memory_space<vmem>>) target(%dma_start3A_103 : memref<128x128xf32, #tpu.memory_space<hbm>>) target_semaphore(%arg19 : memref<!tpu.dma_semaphore, #tpu.memory_space<semaphore_mem>>)
    %dma_wait3A_104 = arith.constant 128 : i32
    %dma_wait3A_105 = tpu.memref_slice %arg6[%dma_wait3A_104] : memref<512xi32, #tpu.memory_space<vmem>> -> memref<128xi32, #tpu.memory_space<vmem>>
    %dma_wait3A_106 = arith.constant 0 : i32
    %dma_wait3A_107 = arith.constant 0 : i32
    %dma_wait3A_108 = tpu.memref_slice %arg3[%dma_wait3A_106, %dma_wait3A_107] : memref<1000000x128xf32, #tpu.memory_space<hbm>> -> memref<1000000x128xf32, #tpu.memory_space<hbm>>
    tpu.wait_indirect_dma semaphore(%arg17 : memref<!tpu.dma_semaphore, #tpu.memory_space<semaphore_mem>>) src(%dma_wait3A_108 : memref<1000000x128xf32, #tpu.memory_space<hbm>>) dst(%arg9 : memref<128x128xf32, #tpu.memory_space<vmem>>)
    %dma_wait3A_109 = arith.constant 0 : i32
    %dma_wait3A_110 = arith.constant 0 : i32
    %dma_wait3A_111 = tpu.memref_slice %arg5[%dma_wait3A_109, %mul3A_2, %dma_wait3A_110] : memref<4x4096x128xf32, #tpu.memory_space<hbm>> -> memref<1x128x128xf32, #tpu.memory_space<hbm>>
    %dma_wait3A_112 = tpu.memref_squeeze %dma_wait3A_111 : memref<1x128x128xf32, #tpu.memory_space<hbm>> -> memref<128x128xf32, #tpu.memory_space<hbm>>
    %dma_wait3A_113 = arith.constant 0 : i32
    %dma_wait3A_114 = tpu.memref_slice %arg5[%dma_wait3A_109, %mul3A_2, %dma_wait3A_113] : memref<4x4096x128xf32, #tpu.memory_space<hbm>> -> memref<1x128x128xf32, #tpu.memory_space<hbm>>
    %dma_wait3A_115 = tpu.memref_squeeze %dma_wait3A_114 : memref<1x128x128xf32, #tpu.memory_space<hbm>> -> memref<128x128xf32, #tpu.memory_space<hbm>>
    tpu.wait_dma2 semaphore(%arg19 : memref<!tpu.dma_semaphore, #tpu.memory_space<semaphore_mem>>) src(%arg8 : memref<128x128xf32, #tpu.memory_space<vmem>>) dst(%dma_wait3A_115 : memref<128x128xf32, #tpu.memory_space<hbm>>)
    %dma_wait3A_116 = arith.constant 3 : i32
    %dma_wait3A_117 = arith.constant 384 : i32
    %dma_wait3A_118 = tpu.memref_slice %arg6[%dma_wait3A_117] : memref<512xi32, #tpu.memory_space<vmem>> -> memref<128xi32, #tpu.memory_space<vmem>>
    %dma_wait3A_119 = tpu.memref_slice %arg2[%dma_wait3A_116, %mul3A_2] : memref<4x4096xi32, #tpu.memory_space<hbm>> -> memref<1x128xi32, #tpu.memory_space<hbm>>
    %dma_wait3A_120 = tpu.memref_squeeze %dma_wait3A_119 : memref<1x128xi32, #tpu.memory_space<hbm>> -> memref<128xi32, #tpu.memory_space<hbm>>
    %dma_wait3A_121 = arith.constant 384 : i32
    %dma_wait3A_122 = tpu.memref_slice %arg6[%dma_wait3A_121] : memref<512xi32, #tpu.memory_space<vmem>> -> memref<128xi32, #tpu.memory_space<vmem>>
    %dma_wait3A_123 = tpu.memref_slice %arg2[%dma_wait3A_116, %mul3A_2] : memref<4x4096xi32, #tpu.memory_space<hbm>> -> memref<1x128xi32, #tpu.memory_space<hbm>>
    %dma_wait3A_124 = tpu.memref_squeeze %dma_wait3A_123 : memref<1x128xi32, #tpu.memory_space<hbm>> -> memref<128xi32, #tpu.memory_space<hbm>>
    tpu.wait_dma2 semaphore(%arg14 : memref<!tpu.dma_semaphore, #tpu.memory_space<semaphore_mem>>) src(%dma_wait3A_124 : memref<128xi32, #tpu.memory_space<hbm>>) dst(%dma_wait3A_122 : memref<128xi32, #tpu.memory_space<vmem>>)
    %dma_start3A_125 = arith.constant 384 : i32
    %dma_start3A_126 = tpu.memref_slice %arg6[%dma_start3A_125] : memref<512xi32, #tpu.memory_space<vmem>> -> memref<128xi32, #tpu.memory_space<vmem>>
    %dma_start3A_127 = arith.constant 0 : i32
    %dma_start3A_128 = arith.constant 0 : i32
    %dma_start3A_129 = tpu.memref_slice %arg3[%dma_start3A_127, %dma_start3A_128] : memref<1000000x128xf32, #tpu.memory_space<hbm>> -> memref<1000000x128xf32, #tpu.memory_space<hbm>>
    tpu.enqueue_indirect_dma source(%dma_start3A_129 : memref<1000000x128xf32, #tpu.memory_space<hbm>>) target(%arg8 : memref<128x128xf32, #tpu.memory_space<vmem>>) offsets(%dma_start3A_126 : memref<128xi32, #tpu.memory_space<vmem>>) semaphore(%arg16 : memref<!tpu.dma_semaphore, #tpu.memory_space<semaphore_mem>>)
    %scan3A_130 = arith.constant 0 : i32
    %scan3A_131 = arith.constant 0 : i32
    %scan3A_132 = arith.constant 128 : i32
    %scan3A_133 = arith.addi %scan3A_131, %scan3A_132 : i32
    %scan3A_134 = arith.constant 1 : i32
    scf.for %scan3A_246 = %scan3A_131 to %scan3A_133 step %scan3A_134  : i32 {
      %get3A = arith.index_cast %scan3A_246 : i32 to index
      %get3A_247 = arith.constant 0 : index
      %get3A_248 = tpu.vector_load %arg9[%get3A, %get3A_247] {strides = array<i32>} : memref<128x128xf32, #tpu.memory_space<vmem>>, vector<1x16xf32>,
      %get3A_249 = vector.shape_cast %get3A_248 : vector<1x16xf32> to vector<16xf32>
      %get3A_250 = arith.index_cast %scan3A_246 : i32 to index
      %get3A_251 = arith.constant 0 : index
      %get3A_252 = tpu.vector_load %arg7[%get3A_250, %get3A_251] {strides = array<i32>} : memref<128x128xf32, #tpu.memory_space<vmem>>, vector<1x16xf32>,
      %get3A_253 = vector.shape_cast %get3A_252 : vector<1x16xf32> to vector<16xf32>
      %add3A_254 = arith.addf %get3A_249, %get3A_253 : vector<16xf32>
      %swap3A = arith.index_cast %scan3A_246 : i32 to index
      %swap3A_255 = arith.constant 0 : index
      %swap3A_256 = tpu.vector_load %arg9[%swap3A, %swap3A_255] {strides = array<i32>} : memref<128x128xf32, #tpu.memory_space<vmem>>, vector<1x16xf32>,
      %swap3A_257 = vector.shape_cast %swap3A_256 : vector<1x16xf32> to vector<16xf32>
      %swap3A_258 = vector.shape_cast %add3A_254 : vector<16xf32> to vector<1x16xf32>
      tpu.vector_store %arg9[%swap3A, %swap3A_255], %swap3A_258 {strides = array<i32>} : memref<128x128xf32, #tpu.memory_space<vmem>>, vector<1x16xf32>,
      %get3A_259 = arith.index_cast %scan3A_246 : i32 to index
      %get3A_260 = arith.constant 16 : index
      %get3A_261 = tpu.vector_load %arg9[%get3A_259, %get3A_260] {strides = array<i32>} : memref<128x128xf32, #tpu.memory_space<vmem>>, vector<1x16xf32>,
      %get3A_262 = vector.shape_cast %get3A_261 : vector<1x16xf32> to vector<16xf32>
      %get3A_263 = arith.index_cast %scan3A_246 : i32 to index
      %get3A_264 = arith.constant 16 : index
      %get3A_265 = tpu.vector_load %arg7[%get3A_263, %get3A_264] {strides = array<i32>} : memref<128x128xf32, #tpu.memory_space<vmem>>, vector<1x16xf32>,
      %get3A_266 = vector.shape_cast %get3A_265 : vector<1x16xf32> to vector<16xf32>
      %add3A_267 = arith.addf %get3A_262, %get3A_266 : vector<16xf32>
      %swap3A_268 = arith.index_cast %scan3A_246 : i32 to index
      %swap3A_269 = arith.constant 16 : index
      %swap3A_270 = tpu.vector_load %arg9[%swap3A_268, %swap3A_269] {strides = array<i32>} : memref<128x128xf32, #tpu.memory_space<vmem>>, vector<1x16xf32>,
      %swap3A_271 = vector.shape_cast %swap3A_270 : vector<1x16xf32> to vector<16xf32>
      %swap3A_272 = vector.shape_cast %add3A_267 : vector<16xf32> to vector<1x16xf32>
      tpu.vector_store %arg9[%swap3A_268, %swap3A_269], %swap3A_272 {strides = array<i32>} : memref<128x128xf32, #tpu.memory_space<vmem>>, vector<1x16xf32>,
      %get3A_273 = arith.index_cast %scan3A_246 : i32 to index
      %get3A_274 = arith.constant 32 : index
      %get3A_275 = tpu.vector_load %arg9[%get3A_273, %get3A_274] {strides = array<i32>} : memref<128x128xf32, #tpu.memory_space<vmem>>, vector<1x16xf32>,
      %get3A_276 = vector.shape_cast %get3A_275 : vector<1x16xf32> to vector<16xf32>
      %get3A_277 = arith.index_cast %scan3A_246 : i32 to index
      %get3A_278 = arith.constant 32 : index
      %get3A_279 = tpu.vector_load %arg7[%get3A_277, %get3A_278] {strides = array<i32>} : memref<128x128xf32, #tpu.memory_space<vmem>>, vector<1x16xf32>,
      %get3A_280 = vector.shape_cast %get3A_279 : vector<1x16xf32> to vector<16xf32>
      %add3A_281 = arith.addf %get3A_276, %get3A_280 : vector<16xf32>
      %swap3A_282 = arith.index_cast %scan3A_246 : i32 to index
      %swap3A_283 = arith.constant 32 : index
      %swap3A_284 = tpu.vector_load %arg9[%swap3A_282, %swap3A_283] {strides = array<i32>} : memref<128x128xf32, #tpu.memory_space<vmem>>, vector<1x16xf32>,
      %swap3A_285 = vector.shape_cast %swap3A_284 : vector<1x16xf32> to vector<16xf32>
      %swap3A_286 = vector.shape_cast %add3A_281 : vector<16xf32> to vector<1x16xf32>
      tpu.vector_store %arg9[%swap3A_282, %swap3A_283], %swap3A_286 {strides = array<i32>} : memref<128x128xf32, #tpu.memory_space<vmem>>, vector<1x16xf32>,
      %get3A_287 = arith.index_cast %scan3A_246 : i32 to index
      %get3A_288 = arith.constant 48 : index
      %get3A_289 = tpu.vector_load %arg9[%get3A_287, %get3A_288] {strides = array<i32>} : memref<128x128xf32, #tpu.memory_space<vmem>>, vector<1x16xf32>,
      %get3A_290 = vector.shape_cast %get3A_289 : vector<1x16xf32> to vector<16xf32>
      %get3A_291 = arith.index_cast %scan3A_246 : i32 to index
      %get3A_292 = arith.constant 48 : index
      %get3A_293 = tpu.vector_load %arg7[%get3A_291, %get3A_292] {strides = array<i32>} : memref<128x128xf32, #tpu.memory_space<vmem>>, vector<1x16xf32>,
      %get3A_294 = vector.shape_cast %get3A_293 : vector<1x16xf32> to vector<16xf32>
      %add3A_295 = arith.addf %get3A_290, %get3A_294 : vector<16xf32>
      %swap3A_296 = arith.index_cast %scan3A_246 : i32 to index
      %swap3A_297 = arith.constant 48 : index
      %swap3A_298 = tpu.vector_load %arg9[%swap3A_296, %swap3A_297] {strides = array<i32>} : memref<128x128xf32, #tpu.memory_space<vmem>>, vector<1x16xf32>,
      %swap3A_299 = vector.shape_cast %swap3A_298 : vector<1x16xf32> to vector<16xf32>
      %swap3A_300 = vector.shape_cast %add3A_295 : vector<16xf32> to vector<1x16xf32>
      tpu.vector_store %arg9[%swap3A_296, %swap3A_297], %swap3A_300 {strides = array<i32>} : memref<128x128xf32, #tpu.memory_space<vmem>>, vector<1x16xf32>,
      %get3A_301 = arith.index_cast %scan3A_246 : i32 to index
      %get3A_302 = arith.constant 64 : index
      %get3A_303 = tpu.vector_load %arg9[%get3A_301, %get3A_302] {strides = array<i32>} : memref<128x128xf32, #tpu.memory_space<vmem>>, vector<1x16xf32>,
      %get3A_304 = vector.shape_cast %get3A_303 : vector<1x16xf32> to vector<16xf32>
      %get3A_305 = arith.index_cast %scan3A_246 : i32 to index
      %get3A_306 = arith.constant 64 : index
      %get3A_307 = tpu.vector_load %arg7[%get3A_305, %get3A_306] {strides = array<i32>} : memref<128x128xf32, #tpu.memory_space<vmem>>, vector<1x16xf32>,
      %get3A_308 = vector.shape_cast %get3A_307 : vector<1x16xf32> to vector<16xf32>
      %add3A_309 = arith.addf %get3A_304, %get3A_308 : vector<16xf32>
      %swap3A_310 = arith.index_cast %scan3A_246 : i32 to index
      %swap3A_311 = arith.constant 64 : index
      %swap3A_312 = tpu.vector_load %arg9[%swap3A_310, %swap3A_311] {strides = array<i32>} : memref<128x128xf32, #tpu.memory_space<vmem>>, vector<1x16xf32>,
      %swap3A_313 = vector.shape_cast %swap3A_312 : vector<1x16xf32> to vector<16xf32>
      %swap3A_314 = vector.shape_cast %add3A_309 : vector<16xf32> to vector<1x16xf32>
      tpu.vector_store %arg9[%swap3A_310, %swap3A_311], %swap3A_314 {strides = array<i32>} : memref<128x128xf32, #tpu.memory_space<vmem>>, vector<1x16xf32>,
      %get3A_315 = arith.index_cast %scan3A_246 : i32 to index
      %get3A_316 = arith.constant 80 : index
      %get3A_317 = tpu.vector_load %arg9[%get3A_315, %get3A_316] {strides = array<i32>} : memref<128x128xf32, #tpu.memory_space<vmem>>, vector<1x16xf32>,
      %get3A_318 = vector.shape_cast %get3A_317 : vector<1x16xf32> to vector<16xf32>
      %get3A_319 = arith.index_cast %scan3A_246 : i32 to index
      %get3A_320 = arith.constant 80 : index
      %get3A_321 = tpu.vector_load %arg7[%get3A_319, %get3A_320] {strides = array<i32>} : memref<128x128xf32, #tpu.memory_space<vmem>>, vector<1x16xf32>,
      %get3A_322 = vector.shape_cast %get3A_321 : vector<1x16xf32> to vector<16xf32>
      %add3A_323 = arith.addf %get3A_318, %get3A_322 : vector<16xf32>
      %swap3A_324 = arith.index_cast %scan3A_246 : i32 to index
      %swap3A_325 = arith.constant 80 : index
      %swap3A_326 = tpu.vector_load %arg9[%swap3A_324, %swap3A_325] {strides = array<i32>} : memref<128x128xf32, #tpu.memory_space<vmem>>, vector<1x16xf32>,
      %swap3A_327 = vector.shape_cast %swap3A_326 : vector<1x16xf32> to vector<16xf32>
      %swap3A_328 = vector.shape_cast %add3A_323 : vector<16xf32> to vector<1x16xf32>
      tpu.vector_store %arg9[%swap3A_324, %swap3A_325], %swap3A_328 {strides = array<i32>} : memref<128x128xf32, #tpu.memory_space<vmem>>, vector<1x16xf32>,
      %get3A_329 = arith.index_cast %scan3A_246 : i32 to index
      %get3A_330 = arith.constant 96 : index
      %get3A_331 = tpu.vector_load %arg9[%get3A_329, %get3A_330] {strides = array<i32>} : memref<128x128xf32, #tpu.memory_space<vmem>>, vector<1x16xf32>,
      %get3A_332 = vector.shape_cast %get3A_331 : vector<1x16xf32> to vector<16xf32>
      %get3A_333 = arith.index_cast %scan3A_246 : i32 to index
      %get3A_334 = arith.constant 96 : index
      %get3A_335 = tpu.vector_load %arg7[%get3A_333, %get3A_334] {strides = array<i32>} : memref<128x128xf32, #tpu.memory_space<vmem>>, vector<1x16xf32>,
      %get3A_336 = vector.shape_cast %get3A_335 : vector<1x16xf32> to vector<16xf32>
      %add3A_337 = arith.addf %get3A_332, %get3A_336 : vector<16xf32>
      %swap3A_338 = arith.index_cast %scan3A_246 : i32 to index
      %swap3A_339 = arith.constant 96 : index
      %swap3A_340 = tpu.vector_load %arg9[%swap3A_338, %swap3A_339] {strides = array<i32>} : memref<128x128xf32, #tpu.memory_space<vmem>>, vector<1x16xf32>,
      %swap3A_341 = vector.shape_cast %swap3A_340 : vector<1x16xf32> to vector<16xf32>
      %swap3A_342 = vector.shape_cast %add3A_337 : vector<16xf32> to vector<1x16xf32>
      tpu.vector_store %arg9[%swap3A_338, %swap3A_339], %swap3A_342 {strides = array<i32>} : memref<128x128xf32, #tpu.memory_space<vmem>>, vector<1x16xf32>,
      %get3A_343 = arith.index_cast %scan3A_246 : i32 to index
      %get3A_344 = arith.constant 112 : index
      %get3A_345 = tpu.vector_load %arg9[%get3A_343, %get3A_344] {strides = array<i32>} : memref<128x128xf32, #tpu.memory_space<vmem>>, vector<1x16xf32>,
      %get3A_346 = vector.shape_cast %get3A_345 : vector<1x16xf32> to vector<16xf32>
      %get3A_347 = arith.index_cast %scan3A_246 : i32 to index
      %get3A_348 = arith.constant 112 : index
      %get3A_349 = tpu.vector_load %arg7[%get3A_347, %get3A_348] {strides = array<i32>} : memref<128x128xf32, #tpu.memory_space<vmem>>, vector<1x16xf32>,
      %get3A_350 = vector.shape_cast %get3A_349 : vector<1x16xf32> to vector<16xf32>
      %add3A_351 = arith.addf %get3A_346, %get3A_350 : vector<16xf32>
      %swap3A_352 = arith.index_cast %scan3A_246 : i32 to index
      %swap3A_353 = arith.constant 112 : index
      %swap3A_354 = tpu.vector_load %arg9[%swap3A_352, %swap3A_353] {strides = array<i32>} : memref<128x128xf32, #tpu.memory_space<vmem>>, vector<1x16xf32>,
      %swap3A_355 = vector.shape_cast %swap3A_354 : vector<1x16xf32> to vector<16xf32>
      %swap3A_356 = vector.shape_cast %add3A_351 : vector<16xf32> to vector<1x16xf32>
      tpu.vector_store %arg9[%swap3A_352, %swap3A_353], %swap3A_356 {strides = array<i32>} : memref<128x128xf32, #tpu.memory_space<vmem>>, vector<1x16xf32>,
    }
    %scan3A_135 = arith.constant 128 : i32
    %dma_start3A_136 = arith.constant 1 : i32
    %dma_start3A_137 = arith.constant 0 : i32
    %dma_start3A_138 = tpu.memref_slice %arg5[%dma_start3A_136, %mul3A_2, %dma_start3A_137] : memref<4x4096x128xf32, #tpu.memory_space<hbm>> -> memref<1x128x128xf32, #tpu.memory_space<hbm>>
    %dma_start3A_139 = tpu.memref_squeeze %dma_start3A_138 : memref<1x128x128xf32, #tpu.memory_space<hbm>> -> memref<128x128xf32, #tpu.memory_space<hbm>>
    %dma_start3A_140 = arith.constant 0 : i32
    %dma_start3A_141 = tpu.memref_slice %arg5[%dma_start3A_136, %mul3A_2, %dma_start3A_140] : memref<4x4096x128xf32, #tpu.memory_space<hbm>> -> memref<1x128x128xf32, #tpu.memory_space<hbm>>
    %dma_start3A_142 = tpu.memref_squeeze %dma_start3A_141 : memref<1x128x128xf32, #tpu.memory_space<hbm>> -> memref<128x128xf32, #tpu.memory_space<hbm>>
    tpu.enqueue_dma source(%arg9 : memref<128x128xf32, #tpu.memory_space<vmem>>) target(%dma_start3A_142 : memref<128x128xf32, #tpu.memory_space<hbm>>) target_semaphore(%arg20 : memref<!tpu.dma_semaphore, #tpu.memory_space<semaphore_mem>>)
    %dma_wait3A_143 = arith.constant 256 : i32
    %dma_wait3A_144 = tpu.memref_slice %arg6[%dma_wait3A_143] : memref<512xi32, #tpu.memory_space<vmem>> -> memref<128xi32, #tpu.memory_space<vmem>>
    %dma_wait3A_145 = arith.constant 0 : i32
    %dma_wait3A_146 = arith.constant 0 : i32
    %dma_wait3A_147 = tpu.memref_slice %arg3[%dma_wait3A_145, %dma_wait3A_146] : memref<1000000x128xf32, #tpu.memory_space<hbm>> -> memref<1000000x128xf32, #tpu.memory_space<hbm>>
    tpu.wait_indirect_dma semaphore(%arg18 : memref<!tpu.dma_semaphore, #tpu.memory_space<semaphore_mem>>) src(%dma_wait3A_147 : memref<1000000x128xf32, #tpu.memory_space<hbm>>) dst(%arg10 : memref<128x128xf32, #tpu.memory_space<vmem>>)
    %scan3A_148 = arith.constant 0 : i32
    %scan3A_149 = arith.constant 0 : i32
    %scan3A_150 = arith.constant 128 : i32
    %scan3A_151 = arith.addi %scan3A_149, %scan3A_150 : i32
    %scan3A_152 = arith.constant 1 : i32
    scf.for %scan3A_246 = %scan3A_149 to %scan3A_151 step %scan3A_152  : i32 {
      %get3A = arith.index_cast %scan3A_246 : i32 to index
      %get3A_247 = arith.constant 0 : index
      %get3A_248 = tpu.vector_load %arg10[%get3A, %get3A_247] {strides = array<i32>} : memref<128x128xf32, #tpu.memory_space<vmem>>, vector<1x16xf32>,
      %get3A_249 = vector.shape_cast %get3A_248 : vector<1x16xf32> to vector<16xf32>
      %get3A_250 = arith.index_cast %scan3A_246 : i32 to index
      %get3A_251 = arith.constant 0 : index
      %get3A_252 = tpu.vector_load %arg7[%get3A_250, %get3A_251] {strides = array<i32>} : memref<128x128xf32, #tpu.memory_space<vmem>>, vector<1x16xf32>,
      %get3A_253 = vector.shape_cast %get3A_252 : vector<1x16xf32> to vector<16xf32>
      %add3A_254 = arith.addf %get3A_249, %get3A_253 : vector<16xf32>
      %swap3A = arith.index_cast %scan3A_246 : i32 to index
      %swap3A_255 = arith.constant 0 : index
      %swap3A_256 = tpu.vector_load %arg10[%swap3A, %swap3A_255] {strides = array<i32>} : memref<128x128xf32, #tpu.memory_space<vmem>>, vector<1x16xf32>,
      %swap3A_257 = vector.shape_cast %swap3A_256 : vector<1x16xf32> to vector<16xf32>
      %swap3A_258 = vector.shape_cast %add3A_254 : vector<16xf32> to vector<1x16xf32>
      tpu.vector_store %arg10[%swap3A, %swap3A_255], %swap3A_258 {strides = array<i32>} : memref<128x128xf32, #tpu.memory_space<vmem>>, vector<1x16xf32>,
      %get3A_259 = arith.index_cast %scan3A_246 : i32 to index
      %get3A_260 = arith.constant 16 : index
      %get3A_261 = tpu.vector_load %arg10[%get3A_259, %get3A_260] {strides = array<i32>} : memref<128x128xf32, #tpu.memory_space<vmem>>, vector<1x16xf32>,
      %get3A_262 = vector.shape_cast %get3A_261 : vector<1x16xf32> to vector<16xf32>
      %get3A_263 = arith.index_cast %scan3A_246 : i32 to index
      %get3A_264 = arith.constant 16 : index
      %get3A_265 = tpu.vector_load %arg7[%get3A_263, %get3A_264] {strides = array<i32>} : memref<128x128xf32, #tpu.memory_space<vmem>>, vector<1x16xf32>,
      %get3A_266 = vector.shape_cast %get3A_265 : vector<1x16xf32> to vector<16xf32>
      %add3A_267 = arith.addf %get3A_262, %get3A_266 : vector<16xf32>
      %swap3A_268 = arith.index_cast %scan3A_246 : i32 to index
      %swap3A_269 = arith.constant 16 : index
      %swap3A_270 = tpu.vector_load %arg10[%swap3A_268, %swap3A_269] {strides = array<i32>} : memref<128x128xf32, #tpu.memory_space<vmem>>, vector<1x16xf32>,
      %swap3A_271 = vector.shape_cast %swap3A_270 : vector<1x16xf32> to vector<16xf32>
      %swap3A_272 = vector.shape_cast %add3A_267 : vector<16xf32> to vector<1x16xf32>
      tpu.vector_store %arg10[%swap3A_268, %swap3A_269], %swap3A_272 {strides = array<i32>} : memref<128x128xf32, #tpu.memory_space<vmem>>, vector<1x16xf32>,
      %get3A_273 = arith.index_cast %scan3A_246 : i32 to index
      %get3A_274 = arith.constant 32 : index
      %get3A_275 = tpu.vector_load %arg10[%get3A_273, %get3A_274] {strides = array<i32>} : memref<128x128xf32, #tpu.memory_space<vmem>>, vector<1x16xf32>,
      %get3A_276 = vector.shape_cast %get3A_275 : vector<1x16xf32> to vector<16xf32>
      %get3A_277 = arith.index_cast %scan3A_246 : i32 to index
      %get3A_278 = arith.constant 32 : index
      %get3A_279 = tpu.vector_load %arg7[%get3A_277, %get3A_278] {strides = array<i32>} : memref<128x128xf32, #tpu.memory_space<vmem>>, vector<1x16xf32>,
      %get3A_280 = vector.shape_cast %get3A_279 : vector<1x16xf32> to vector<16xf32>
      %add3A_281 = arith.addf %get3A_276, %get3A_280 : vector<16xf32>
      %swap3A_282 = arith.index_cast %scan3A_246 : i32 to index
      %swap3A_283 = arith.constant 32 : index
      %swap3A_284 = tpu.vector_load %arg10[%swap3A_282, %swap3A_283] {strides = array<i32>} : memref<128x128xf32, #tpu.memory_space<vmem>>, vector<1x16xf32>,
      %swap3A_285 = vector.shape_cast %swap3A_284 : vector<1x16xf32> to vector<16xf32>
      %swap3A_286 = vector.shape_cast %add3A_281 : vector<16xf32> to vector<1x16xf32>
      tpu.vector_store %arg10[%swap3A_282, %swap3A_283], %swap3A_286 {strides = array<i32>} : memref<128x128xf32, #tpu.memory_space<vmem>>, vector<1x16xf32>,
      %get3A_287 = arith.index_cast %scan3A_246 : i32 to index
      %get3A_288 = arith.constant 48 : index
      %get3A_289 = tpu.vector_load %arg10[%get3A_287, %get3A_288] {strides = array<i32>} : memref<128x128xf32, #tpu.memory_space<vmem>>, vector<1x16xf32>,
      %get3A_290 = vector.shape_cast %get3A_289 : vector<1x16xf32> to vector<16xf32>
      %get3A_291 = arith.index_cast %scan3A_246 : i32 to index
      %get3A_292 = arith.constant 48 : index
      %get3A_293 = tpu.vector_load %arg7[%get3A_291, %get3A_292] {strides = array<i32>} : memref<128x128xf32, #tpu.memory_space<vmem>>, vector<1x16xf32>,
      %get3A_294 = vector.shape_cast %get3A_293 : vector<1x16xf32> to vector<16xf32>
      %add3A_295 = arith.addf %get3A_290, %get3A_294 : vector<16xf32>
      %swap3A_296 = arith.index_cast %scan3A_246 : i32 to index
      %swap3A_297 = arith.constant 48 : index
      %swap3A_298 = tpu.vector_load %arg10[%swap3A_296, %swap3A_297] {strides = array<i32>} : memref<128x128xf32, #tpu.memory_space<vmem>>, vector<1x16xf32>,
      %swap3A_299 = vector.shape_cast %swap3A_298 : vector<1x16xf32> to vector<16xf32>
      %swap3A_300 = vector.shape_cast %add3A_295 : vector<16xf32> to vector<1x16xf32>
      tpu.vector_store %arg10[%swap3A_296, %swap3A_297], %swap3A_300 {strides = array<i32>} : memref<128x128xf32, #tpu.memory_space<vmem>>, vector<1x16xf32>,
      %get3A_301 = arith.index_cast %scan3A_246 : i32 to index
      %get3A_302 = arith.constant 64 : index
      %get3A_303 = tpu.vector_load %arg10[%get3A_301, %get3A_302] {strides = array<i32>} : memref<128x128xf32, #tpu.memory_space<vmem>>, vector<1x16xf32>,
      %get3A_304 = vector.shape_cast %get3A_303 : vector<1x16xf32> to vector<16xf32>
      %get3A_305 = arith.index_cast %scan3A_246 : i32 to index
      %get3A_306 = arith.constant 64 : index
      %get3A_307 = tpu.vector_load %arg7[%get3A_305, %get3A_306] {strides = array<i32>} : memref<128x128xf32, #tpu.memory_space<vmem>>, vector<1x16xf32>,
      %get3A_308 = vector.shape_cast %get3A_307 : vector<1x16xf32> to vector<16xf32>
      %add3A_309 = arith.addf %get3A_304, %get3A_308 : vector<16xf32>
      %swap3A_310 = arith.index_cast %scan3A_246 : i32 to index
      %swap3A_311 = arith.constant 64 : index
      %swap3A_312 = tpu.vector_load %arg10[%swap3A_310, %swap3A_311] {strides = array<i32>} : memref<128x128xf32, #tpu.memory_space<vmem>>, vector<1x16xf32>,
      %swap3A_313 = vector.shape_cast %swap3A_312 : vector<1x16xf32> to vector<16xf32>
      %swap3A_314 = vector.shape_cast %add3A_309 : vector<16xf32> to vector<1x16xf32>
      tpu.vector_store %arg10[%swap3A_310, %swap3A_311], %swap3A_314 {strides = array<i32>} : memref<128x128xf32, #tpu.memory_space<vmem>>, vector<1x16xf32>,
      %get3A_315 = arith.index_cast %scan3A_246 : i32 to index
      %get3A_316 = arith.constant 80 : index
      %get3A_317 = tpu.vector_load %arg10[%get3A_315, %get3A_316] {strides = array<i32>} : memref<128x128xf32, #tpu.memory_space<vmem>>, vector<1x16xf32>,
      %get3A_318 = vector.shape_cast %get3A_317 : vector<1x16xf32> to vector<16xf32>
      %get3A_319 = arith.index_cast %scan3A_246 : i32 to index
      %get3A_320 = arith.constant 80 : index
      %get3A_321 = tpu.vector_load %arg7[%get3A_319, %get3A_320] {strides = array<i32>} : memref<128x128xf32, #tpu.memory_space<vmem>>, vector<1x16xf32>,
      %get3A_322 = vector.shape_cast %get3A_321 : vector<1x16xf32> to vector<16xf32>
      %add3A_323 = arith.addf %get3A_318, %get3A_322 : vector<16xf32>
      %swap3A_324 = arith.index_cast %scan3A_246 : i32 to index
      %swap3A_325 = arith.constant 80 : index
      %swap3A_326 = tpu.vector_load %arg10[%swap3A_324, %swap3A_325] {strides = array<i32>} : memref<128x128xf32, #tpu.memory_space<vmem>>, vector<1x16xf32>,
      %swap3A_327 = vector.shape_cast %swap3A_326 : vector<1x16xf32> to vector<16xf32>
      %swap3A_328 = vector.shape_cast %add3A_323 : vector<16xf32> to vector<1x16xf32>
      tpu.vector_store %arg10[%swap3A_324, %swap3A_325], %swap3A_328 {strides = array<i32>} : memref<128x128xf32, #tpu.memory_space<vmem>>, vector<1x16xf32>,
      %get3A_329 = arith.index_cast %scan3A_246 : i32 to index
      %get3A_330 = arith.constant 96 : index
      %get3A_331 = tpu.vector_load %arg10[%get3A_329, %get3A_330] {strides = array<i32>} : memref<128x128xf32, #tpu.memory_space<vmem>>, vector<1x16xf32>,
      %get3A_332 = vector.shape_cast %get3A_331 : vector<1x16xf32> to vector<16xf32>
      %get3A_333 = arith.index_cast %scan3A_246 : i32 to index
      %get3A_334 = arith.constant 96 : index
      %get3A_335 = tpu.vector_load %arg7[%get3A_333, %get3A_334] {strides = array<i32>} : memref<128x128xf32, #tpu.memory_space<vmem>>, vector<1x16xf32>,
      %get3A_336 = vector.shape_cast %get3A_335 : vector<1x16xf32> to vector<16xf32>
      %add3A_337 = arith.addf %get3A_332, %get3A_336 : vector<16xf32>
      %swap3A_338 = arith.index_cast %scan3A_246 : i32 to index
      %swap3A_339 = arith.constant 96 : index
      %swap3A_340 = tpu.vector_load %arg10[%swap3A_338, %swap3A_339] {strides = array<i32>} : memref<128x128xf32, #tpu.memory_space<vmem>>, vector<1x16xf32>,
      %swap3A_341 = vector.shape_cast %swap3A_340 : vector<1x16xf32> to vector<16xf32>
      %swap3A_342 = vector.shape_cast %add3A_337 : vector<16xf32> to vector<1x16xf32>
      tpu.vector_store %arg10[%swap3A_338, %swap3A_339], %swap3A_342 {strides = array<i32>} : memref<128x128xf32, #tpu.memory_space<vmem>>, vector<1x16xf32>,
      %get3A_343 = arith.index_cast %scan3A_246 : i32 to index
      %get3A_344 = arith.constant 112 : index
      %get3A_345 = tpu.vector_load %arg10[%get3A_343, %get3A_344] {strides = array<i32>} : memref<128x128xf32, #tpu.memory_space<vmem>>, vector<1x16xf32>,
      %get3A_346 = vector.shape_cast %get3A_345 : vector<1x16xf32> to vector<16xf32>
      %get3A_347 = arith.index_cast %scan3A_246 : i32 to index
      %get3A_348 = arith.constant 112 : index
      %get3A_349 = tpu.vector_load %arg7[%get3A_347, %get3A_348] {strides = array<i32>} : memref<128x128xf32, #tpu.memory_space<vmem>>, vector<1x16xf32>,
      %get3A_350 = vector.shape_cast %get3A_349 : vector<1x16xf32> to vector<16xf32>
      %add3A_351 = arith.addf %get3A_346, %get3A_350 : vector<16xf32>
      %swap3A_352 = arith.index_cast %scan3A_246 : i32 to index
      %swap3A_353 = arith.constant 112 : index
      %swap3A_354 = tpu.vector_load %arg10[%swap3A_352, %swap3A_353] {strides = array<i32>} : memref<128x128xf32, #tpu.memory_space<vmem>>, vector<1x16xf32>,
      %swap3A_355 = vector.shape_cast %swap3A_354 : vector<1x16xf32> to vector<16xf32>
      %swap3A_356 = vector.shape_cast %add3A_351 : vector<16xf32> to vector<1x16xf32>
      tpu.vector_store %arg10[%swap3A_352, %swap3A_353], %swap3A_356 {strides = array<i32>} : memref<128x128xf32, #tpu.memory_space<vmem>>, vector<1x16xf32>,
    }
    %scan3A_153 = arith.constant 128 : i32
    %dma_start3A_154 = arith.constant 2 : i32
    %dma_start3A_155 = arith.constant 0 : i32
    %dma_start3A_156 = tpu.memref_slice %arg5[%dma_start3A_154, %mul3A_2, %dma_start3A_155] : memref<4x4096x128xf32, #tpu.memory_space<hbm>> -> memref<1x128x128xf32, #tpu.memory_space<hbm>>
    %dma_start3A_157 = tpu.memref_squeeze %dma_start3A_156 : memref<1x128x128xf32, #tpu.memory_space<hbm>> -> memref<128x128xf32, #tpu.memory_space<hbm>>
    %dma_start3A_158 = arith.constant 0 : i32
    %dma_start3A_159 = tpu.memref_slice %arg5[%dma_start3A_154, %mul3A_2, %dma_start3A_158] : memref<4x4096x128xf32, #tpu.memory_space<hbm>> -> memref<1x128x128xf32, #tpu.memory_space<hbm>>
    %dma_start3A_160 = tpu.memref_squeeze %dma_start3A_159 : memref<1x128x128xf32, #tpu.memory_space<hbm>> -> memref<128x128xf32, #tpu.memory_space<hbm>>
    tpu.enqueue_dma source(%arg10 : memref<128x128xf32, #tpu.memory_space<vmem>>) target(%dma_start3A_160 : memref<128x128xf32, #tpu.memory_space<hbm>>) target_semaphore(%arg21 : memref<!tpu.dma_semaphore, #tpu.memory_space<semaphore_mem>>)
    %dma_wait3A_161 = arith.constant 384 : i32
    %dma_wait3A_162 = tpu.memref_slice %arg6[%dma_wait3A_161] : memref<512xi32, #tpu.memory_space<vmem>> -> memref<128xi32, #tpu.memory_space<vmem>>
    %dma_wait3A_163 = arith.constant 0 : i32
    %dma_wait3A_164 = arith.constant 0 : i32
    %dma_wait3A_165 = tpu.memref_slice %arg3[%dma_wait3A_163, %dma_wait3A_164] : memref<1000000x128xf32, #tpu.memory_space<hbm>> -> memref<1000000x128xf32, #tpu.memory_space<hbm>>
    tpu.wait_indirect_dma semaphore(%arg16 : memref<!tpu.dma_semaphore, #tpu.memory_space<semaphore_mem>>) src(%dma_wait3A_165 : memref<1000000x128xf32, #tpu.memory_space<hbm>>) dst(%arg8 : memref<128x128xf32, #tpu.memory_space<vmem>>)
    %scan3A_166 = arith.constant 0 : i32
    %scan3A_167 = arith.constant 0 : i32
    %scan3A_168 = arith.constant 64 : i32
    %scan3A_169 = arith.addi %scan3A_167, %scan3A_168 : i32
    %scan3A_170 = arith.constant 1 : i32
    scf.for %scan3A_246 = %scan3A_167 to %scan3A_169 step %scan3A_170  : i32 {
      %get3A = arith.index_cast %scan3A_246 : i32 to index
      %get3A_247 = arith.constant 0 : index
      %get3A_248 = tpu.vector_load %arg8[%get3A, %get3A_247] {strides = array<i32>} : memref<128x128xf32, #tpu.memory_space<vmem>>, vector<1x16xf32>,
      %get3A_249 = vector.shape_cast %get3A_248 : vector<1x16xf32> to vector<16xf32>
      %get3A_250 = arith.index_cast %scan3A_246 : i32 to index
      %get3A_251 = arith.constant 0 : index
      %get3A_252 = tpu.vector_load %arg7[%get3A_250, %get3A_251] {strides = array<i32>} : memref<128x128xf32, #tpu.memory_space<vmem>>, vector<1x16xf32>,
      %get3A_253 = vector.shape_cast %get3A_252 : vector<1x16xf32> to vector<16xf32>
      %add3A_254 = arith.addf %get3A_249, %get3A_253 : vector<16xf32>
      %swap3A = arith.index_cast %scan3A_246 : i32 to index
      %swap3A_255 = arith.constant 0 : index
      %swap3A_256 = tpu.vector_load %arg8[%swap3A, %swap3A_255] {strides = array<i32>} : memref<128x128xf32, #tpu.memory_space<vmem>>, vector<1x16xf32>,
      %swap3A_257 = vector.shape_cast %swap3A_256 : vector<1x16xf32> to vector<16xf32>
      %swap3A_258 = vector.shape_cast %add3A_254 : vector<16xf32> to vector<1x16xf32>
      tpu.vector_store %arg8[%swap3A, %swap3A_255], %swap3A_258 {strides = array<i32>} : memref<128x128xf32, #tpu.memory_space<vmem>>, vector<1x16xf32>,
      %get3A_259 = arith.index_cast %scan3A_246 : i32 to index
      %get3A_260 = arith.constant 16 : index
      %get3A_261 = tpu.vector_load %arg8[%get3A_259, %get3A_260] {strides = array<i32>} : memref<128x128xf32, #tpu.memory_space<vmem>>, vector<1x16xf32>,
      %get3A_262 = vector.shape_cast %get3A_261 : vector<1x16xf32> to vector<16xf32>
      %get3A_263 = arith.index_cast %scan3A_246 : i32 to index
      %get3A_264 = arith.constant 16 : index
      %get3A_265 = tpu.vector_load %arg7[%get3A_263, %get3A_264] {strides = array<i32>} : memref<128x128xf32, #tpu.memory_space<vmem>>, vector<1x16xf32>,
      %get3A_266 = vector.shape_cast %get3A_265 : vector<1x16xf32> to vector<16xf32>
      %add3A_267 = arith.addf %get3A_262, %get3A_266 : vector<16xf32>
      %swap3A_268 = arith.index_cast %scan3A_246 : i32 to index
      %swap3A_269 = arith.constant 16 : index
      %swap3A_270 = tpu.vector_load %arg8[%swap3A_268, %swap3A_269] {strides = array<i32>} : memref<128x128xf32, #tpu.memory_space<vmem>>, vector<1x16xf32>,
      %swap3A_271 = vector.shape_cast %swap3A_270 : vector<1x16xf32> to vector<16xf32>
      %swap3A_272 = vector.shape_cast %add3A_267 : vector<16xf32> to vector<1x16xf32>
      tpu.vector_store %arg8[%swap3A_268, %swap3A_269], %swap3A_272 {strides = array<i32>} : memref<128x128xf32, #tpu.memory_space<vmem>>, vector<1x16xf32>,
      %get3A_273 = arith.index_cast %scan3A_246 : i32 to index
      %get3A_274 = arith.constant 32 : index
      %get3A_275 = tpu.vector_load %arg8[%get3A_273, %get3A_274] {strides = array<i32>} : memref<128x128xf32, #tpu.memory_space<vmem>>, vector<1x16xf32>,
      %get3A_276 = vector.shape_cast %get3A_275 : vector<1x16xf32> to vector<16xf32>
      %get3A_277 = arith.index_cast %scan3A_246 : i32 to index
      %get3A_278 = arith.constant 32 : index
      %get3A_279 = tpu.vector_load %arg7[%get3A_277, %get3A_278] {strides = array<i32>} : memref<128x128xf32, #tpu.memory_space<vmem>>, vector<1x16xf32>,
      %get3A_280 = vector.shape_cast %get3A_279 : vector<1x16xf32> to vector<16xf32>
      %add3A_281 = arith.addf %get3A_276, %get3A_280 : vector<16xf32>
      %swap3A_282 = arith.index_cast %scan3A_246 : i32 to index
      %swap3A_283 = arith.constant 32 : index
      %swap3A_284 = tpu.vector_load %arg8[%swap3A_282, %swap3A_283] {strides = array<i32>} : memref<128x128xf32, #tpu.memory_space<vmem>>, vector<1x16xf32>,
      %swap3A_285 = vector.shape_cast %swap3A_284 : vector<1x16xf32> to vector<16xf32>
      %swap3A_286 = vector.shape_cast %add3A_281 : vector<16xf32> to vector<1x16xf32>
      tpu.vector_store %arg8[%swap3A_282, %swap3A_283], %swap3A_286 {strides = array<i32>} : memref<128x128xf32, #tpu.memory_space<vmem>>, vector<1x16xf32>,
      %get3A_287 = arith.index_cast %scan3A_246 : i32 to index
      %get3A_288 = arith.constant 48 : index
      %get3A_289 = tpu.vector_load %arg8[%get3A_287, %get3A_288] {strides = array<i32>} : memref<128x128xf32, #tpu.memory_space<vmem>>, vector<1x16xf32>,
      %get3A_290 = vector.shape_cast %get3A_289 : vector<1x16xf32> to vector<16xf32>
      %get3A_291 = arith.index_cast %scan3A_246 : i32 to index
      %get3A_292 = arith.constant 48 : index
      %get3A_293 = tpu.vector_load %arg7[%get3A_291, %get3A_292] {strides = array<i32>} : memref<128x128xf32, #tpu.memory_space<vmem>>, vector<1x16xf32>,
      %get3A_294 = vector.shape_cast %get3A_293 : vector<1x16xf32> to vector<16xf32>
      %add3A_295 = arith.addf %get3A_290, %get3A_294 : vector<16xf32>
      %swap3A_296 = arith.index_cast %scan3A_246 : i32 to index
      %swap3A_297 = arith.constant 48 : index
      %swap3A_298 = tpu.vector_load %arg8[%swap3A_296, %swap3A_297] {strides = array<i32>} : memref<128x128xf32, #tpu.memory_space<vmem>>, vector<1x16xf32>,
      %swap3A_299 = vector.shape_cast %swap3A_298 : vector<1x16xf32> to vector<16xf32>
      %swap3A_300 = vector.shape_cast %add3A_295 : vector<16xf32> to vector<1x16xf32>
      tpu.vector_store %arg8[%swap3A_296, %swap3A_297], %swap3A_300 {strides = array<i32>} : memref<128x128xf32, #tpu.memory_space<vmem>>, vector<1x16xf32>,
      %get3A_301 = arith.index_cast %scan3A_246 : i32 to index
      %get3A_302 = arith.constant 64 : index
      %get3A_303 = tpu.vector_load %arg8[%get3A_301, %get3A_302] {strides = array<i32>} : memref<128x128xf32, #tpu.memory_space<vmem>>, vector<1x16xf32>,
      %get3A_304 = vector.shape_cast %get3A_303 : vector<1x16xf32> to vector<16xf32>
      %get3A_305 = arith.index_cast %scan3A_246 : i32 to index
      %get3A_306 = arith.constant 64 : index
      %get3A_307 = tpu.vector_load %arg7[%get3A_305, %get3A_306] {strides = array<i32>} : memref<128x128xf32, #tpu.memory_space<vmem>>, vector<1x16xf32>,
      %get3A_308 = vector.shape_cast %get3A_307 : vector<1x16xf32> to vector<16xf32>
      %add3A_309 = arith.addf %get3A_304, %get3A_308 : vector<16xf32>
      %swap3A_310 = arith.index_cast %scan3A_246 : i32 to index
      %swap3A_311 = arith.constant 64 : index
      %swap3A_312 = tpu.vector_load %arg8[%swap3A_310, %swap3A_311] {strides = array<i32>} : memref<128x128xf32, #tpu.memory_space<vmem>>, vector<1x16xf32>,
      %swap3A_313 = vector.shape_cast %swap3A_312 : vector<1x16xf32> to vector<16xf32>
      %swap3A_314 = vector.shape_cast %add3A_309 : vector<16xf32> to vector<1x16xf32>
      tpu.vector_store %arg8[%swap3A_310, %swap3A_311], %swap3A_314 {strides = array<i32>} : memref<128x128xf32, #tpu.memory_space<vmem>>, vector<1x16xf32>,
      %get3A_315 = arith.index_cast %scan3A_246 : i32 to index
      %get3A_316 = arith.constant 80 : index
      %get3A_317 = tpu.vector_load %arg8[%get3A_315, %get3A_316] {strides = array<i32>} : memref<128x128xf32, #tpu.memory_space<vmem>>, vector<1x16xf32>,
      %get3A_318 = vector.shape_cast %get3A_317 : vector<1x16xf32> to vector<16xf32>
      %get3A_319 = arith.index_cast %scan3A_246 : i32 to index
      %get3A_320 = arith.constant 80 : index
      %get3A_321 = tpu.vector_load %arg7[%get3A_319, %get3A_320] {strides = array<i32>} : memref<128x128xf32, #tpu.memory_space<vmem>>, vector<1x16xf32>,
      %get3A_322 = vector.shape_cast %get3A_321 : vector<1x16xf32> to vector<16xf32>
      %add3A_323 = arith.addf %get3A_318, %get3A_322 : vector<16xf32>
      %swap3A_324 = arith.index_cast %scan3A_246 : i32 to index
      %swap3A_325 = arith.constant 80 : index
      %swap3A_326 = tpu.vector_load %arg8[%swap3A_324, %swap3A_325] {strides = array<i32>} : memref<128x128xf32, #tpu.memory_space<vmem>>, vector<1x16xf32>,
      %swap3A_327 = vector.shape_cast %swap3A_326 : vector<1x16xf32> to vector<16xf32>
      %swap3A_328 = vector.shape_cast %add3A_323 : vector<16xf32> to vector<1x16xf32>
      tpu.vector_store %arg8[%swap3A_324, %swap3A_325], %swap3A_328 {strides = array<i32>} : memref<128x128xf32, #tpu.memory_space<vmem>>, vector<1x16xf32>,
      %get3A_329 = arith.index_cast %scan3A_246 : i32 to index
      %get3A_330 = arith.constant 96 : index
      %get3A_331 = tpu.vector_load %arg8[%get3A_329, %get3A_330] {strides = array<i32>} : memref<128x128xf32, #tpu.memory_space<vmem>>, vector<1x16xf32>,
      %get3A_332 = vector.shape_cast %get3A_331 : vector<1x16xf32> to vector<16xf32>
      %get3A_333 = arith.index_cast %scan3A_246 : i32 to index
      %get3A_334 = arith.constant 96 : index
      %get3A_335 = tpu.vector_load %arg7[%get3A_333, %get3A_334] {strides = array<i32>} : memref<128x128xf32, #tpu.memory_space<vmem>>, vector<1x16xf32>,
      %get3A_336 = vector.shape_cast %get3A_335 : vector<1x16xf32> to vector<16xf32>
      %add3A_337 = arith.addf %get3A_332, %get3A_336 : vector<16xf32>
      %swap3A_338 = arith.index_cast %scan3A_246 : i32 to index
      %swap3A_339 = arith.constant 96 : index
      %swap3A_340 = tpu.vector_load %arg8[%swap3A_338, %swap3A_339] {strides = array<i32>} : memref<128x128xf32, #tpu.memory_space<vmem>>, vector<1x16xf32>,
      %swap3A_341 = vector.shape_cast %swap3A_340 : vector<1x16xf32> to vector<16xf32>
      %swap3A_342 = vector.shape_cast %add3A_337 : vector<16xf32> to vector<1x16xf32>
      tpu.vector_store %arg8[%swap3A_338, %swap3A_339], %swap3A_342 {strides = array<i32>} : memref<128x128xf32, #tpu.memory_space<vmem>>, vector<1x16xf32>,
      %get3A_343 = arith.index_cast %scan3A_246 : i32 to index
      %get3A_344 = arith.constant 112 : index
      %get3A_345 = tpu.vector_load %arg8[%get3A_343, %get3A_344] {strides = array<i32>} : memref<128x128xf32, #tpu.memory_space<vmem>>, vector<1x16xf32>,
      %get3A_346 = vector.shape_cast %get3A_345 : vector<1x16xf32> to vector<16xf32>
      %get3A_347 = arith.index_cast %scan3A_246 : i32 to index
      %get3A_348 = arith.constant 112 : index
      %get3A_349 = tpu.vector_load %arg7[%get3A_347, %get3A_348] {strides = array<i32>} : memref<128x128xf32, #tpu.memory_space<vmem>>, vector<1x16xf32>,
      %get3A_350 = vector.shape_cast %get3A_349 : vector<1x16xf32> to vector<16xf32>
      %add3A_351 = arith.addf %get3A_346, %get3A_350 : vector<16xf32>
      %swap3A_352 = arith.index_cast %scan3A_246 : i32 to index
      %swap3A_353 = arith.constant 112 : index
      %swap3A_354 = tpu.vector_load %arg8[%swap3A_352, %swap3A_353] {strides = array<i32>} : memref<128x128xf32, #tpu.memory_space<vmem>>, vector<1x16xf32>,
      %swap3A_355 = vector.shape_cast %swap3A_354 : vector<1x16xf32> to vector<16xf32>
      %swap3A_356 = vector.shape_cast %add3A_351 : vector<16xf32> to vector<1x16xf32>
      tpu.vector_store %arg8[%swap3A_352, %swap3A_353], %swap3A_356 {strides = array<i32>} : memref<128x128xf32, #tpu.memory_space<vmem>>, vector<1x16xf32>,
    }
    %scan3A_171 = arith.constant 64 : i32
    %dma_start3A_172 = arith.constant 3 : i32
    %dma_start3A_173 = arith.constant 0 : i32
    %dma_start3A_174 = arith.constant 0 : i32
    %dma_start3A_175 = tpu.memref_slice %arg8[%dma_start3A_173, %dma_start3A_174] : memref<128x128xf32, #tpu.memory_space<vmem>> -> memref<64x128xf32, #tpu.memory_space<vmem>>
    %dma_start3A_176 = arith.constant 0 : i32
    %dma_start3A_177 = tpu.memref_slice %arg5[%dma_start3A_172, %mul3A_2, %dma_start3A_176] : memref<4x4096x128xf32, #tpu.memory_space<hbm>> -> memref<1x64x128xf32, #tpu.memory_space<hbm>>
    %dma_start3A_178 = tpu.memref_squeeze %dma_start3A_177 : memref<1x64x128xf32, #tpu.memory_space<hbm>> -> memref<64x128xf32, #tpu.memory_space<hbm>>
    %dma_start3A_179 = arith.constant 0 : i32
    %dma_start3A_180 = tpu.memref_slice %arg5[%dma_start3A_172, %mul3A_2, %dma_start3A_179] : memref<4x4096x128xf32, #tpu.memory_space<hbm>> -> memref<1x64x128xf32, #tpu.memory_space<hbm>>
    %dma_start3A_181 = tpu.memref_squeeze %dma_start3A_180 : memref<1x64x128xf32, #tpu.memory_space<hbm>> -> memref<64x128xf32, #tpu.memory_space<hbm>>
    %dma_start3A_182 = arith.constant 0 : i32
    %dma_start3A_183 = arith.constant 0 : i32
    %dma_start3A_184 = tpu.memref_slice %arg8[%dma_start3A_182, %dma_start3A_183] : memref<128x128xf32, #tpu.memory_space<vmem>> -> memref<64x128xf32, #tpu.memory_space<vmem>>
    tpu.enqueue_dma source(%dma_start3A_184 : memref<64x128xf32, #tpu.memory_space<vmem>>) target(%dma_start3A_181 : memref<64x128xf32, #tpu.memory_space<hbm>>) target_semaphore(%arg11 : memref<!tpu.dma_semaphore, #tpu.memory_space<semaphore_mem>>)
    %scan3A_185 = arith.constant 0 : i32
    %scan3A_186 = arith.constant 64 : i32
    %scan3A_187 = arith.constant 64 : i32
    %scan3A_188 = arith.addi %scan3A_186, %scan3A_187 : i32
    %scan3A_189 = arith.constant 1 : i32
    scf.for %scan3A_246 = %scan3A_186 to %scan3A_188 step %scan3A_189  : i32 {
      %get3A = arith.index_cast %scan3A_246 : i32 to index
      %get3A_247 = arith.constant 0 : index
      %get3A_248 = tpu.vector_load %arg8[%get3A, %get3A_247] {strides = array<i32>} : memref<128x128xf32, #tpu.memory_space<vmem>>, vector<1x16xf32>,
      %get3A_249 = vector.shape_cast %get3A_248 : vector<1x16xf32> to vector<16xf32>
      %get3A_250 = arith.index_cast %scan3A_246 : i32 to index
      %get3A_251 = arith.constant 0 : index
      %get3A_252 = tpu.vector_load %arg7[%get3A_250, %get3A_251] {strides = array<i32>} : memref<128x128xf32, #tpu.memory_space<vmem>>, vector<1x16xf32>,
      %get3A_253 = vector.shape_cast %get3A_252 : vector<1x16xf32> to vector<16xf32>
      %add3A_254 = arith.addf %get3A_249, %get3A_253 : vector<16xf32>
      %swap3A = arith.index_cast %scan3A_246 : i32 to index
      %swap3A_255 = arith.constant 0 : index
      %swap3A_256 = tpu.vector_load %arg8[%swap3A, %swap3A_255] {strides = array<i32>} : memref<128x128xf32, #tpu.memory_space<vmem>>, vector<1x16xf32>,
      %swap3A_257 = vector.shape_cast %swap3A_256 : vector<1x16xf32> to vector<16xf32>
      %swap3A_258 = vector.shape_cast %add3A_254 : vector<16xf32> to vector<1x16xf32>
      tpu.vector_store %arg8[%swap3A, %swap3A_255], %swap3A_258 {strides = array<i32>} : memref<128x128xf32, #tpu.memory_space<vmem>>, vector<1x16xf32>,
      %get3A_259 = arith.index_cast %scan3A_246 : i32 to index
      %get3A_260 = arith.constant 16 : index
      %get3A_261 = tpu.vector_load %arg8[%get3A_259, %get3A_260] {strides = array<i32>} : memref<128x128xf32, #tpu.memory_space<vmem>>, vector<1x16xf32>,
      %get3A_262 = vector.shape_cast %get3A_261 : vector<1x16xf32> to vector<16xf32>
      %get3A_263 = arith.index_cast %scan3A_246 : i32 to index
      %get3A_264 = arith.constant 16 : index
      %get3A_265 = tpu.vector_load %arg7[%get3A_263, %get3A_264] {strides = array<i32>} : memref<128x128xf32, #tpu.memory_space<vmem>>, vector<1x16xf32>,
      %get3A_266 = vector.shape_cast %get3A_265 : vector<1x16xf32> to vector<16xf32>
      %add3A_267 = arith.addf %get3A_262, %get3A_266 : vector<16xf32>
      %swap3A_268 = arith.index_cast %scan3A_246 : i32 to index
      %swap3A_269 = arith.constant 16 : index
      %swap3A_270 = tpu.vector_load %arg8[%swap3A_268, %swap3A_269] {strides = array<i32>} : memref<128x128xf32, #tpu.memory_space<vmem>>, vector<1x16xf32>,
      %swap3A_271 = vector.shape_cast %swap3A_270 : vector<1x16xf32> to vector<16xf32>
      %swap3A_272 = vector.shape_cast %add3A_267 : vector<16xf32> to vector<1x16xf32>
      tpu.vector_store %arg8[%swap3A_268, %swap3A_269], %swap3A_272 {strides = array<i32>} : memref<128x128xf32, #tpu.memory_space<vmem>>, vector<1x16xf32>,
      %get3A_273 = arith.index_cast %scan3A_246 : i32 to index
      %get3A_274 = arith.constant 32 : index
      %get3A_275 = tpu.vector_load %arg8[%get3A_273, %get3A_274] {strides = array<i32>} : memref<128x128xf32, #tpu.memory_space<vmem>>, vector<1x16xf32>,
      %get3A_276 = vector.shape_cast %get3A_275 : vector<1x16xf32> to vector<16xf32>
      %get3A_277 = arith.index_cast %scan3A_246 : i32 to index
      %get3A_278 = arith.constant 32 : index
      %get3A_279 = tpu.vector_load %arg7[%get3A_277, %get3A_278] {strides = array<i32>} : memref<128x128xf32, #tpu.memory_space<vmem>>, vector<1x16xf32>,
      %get3A_280 = vector.shape_cast %get3A_279 : vector<1x16xf32> to vector<16xf32>
      %add3A_281 = arith.addf %get3A_276, %get3A_280 : vector<16xf32>
      %swap3A_282 = arith.index_cast %scan3A_246 : i32 to index
      %swap3A_283 = arith.constant 32 : index
      %swap3A_284 = tpu.vector_load %arg8[%swap3A_282, %swap3A_283] {strides = array<i32>} : memref<128x128xf32, #tpu.memory_space<vmem>>, vector<1x16xf32>,
      %swap3A_285 = vector.shape_cast %swap3A_284 : vector<1x16xf32> to vector<16xf32>
      %swap3A_286 = vector.shape_cast %add3A_281 : vector<16xf32> to vector<1x16xf32>
      tpu.vector_store %arg8[%swap3A_282, %swap3A_283], %swap3A_286 {strides = array<i32>} : memref<128x128xf32, #tpu.memory_space<vmem>>, vector<1x16xf32>,
      %get3A_287 = arith.index_cast %scan3A_246 : i32 to index
      %get3A_288 = arith.constant 48 : index
      %get3A_289 = tpu.vector_load %arg8[%get3A_287, %get3A_288] {strides = array<i32>} : memref<128x128xf32, #tpu.memory_space<vmem>>, vector<1x16xf32>,
      %get3A_290 = vector.shape_cast %get3A_289 : vector<1x16xf32> to vector<16xf32>
      %get3A_291 = arith.index_cast %scan3A_246 : i32 to index
      %get3A_292 = arith.constant 48 : index
      %get3A_293 = tpu.vector_load %arg7[%get3A_291, %get3A_292] {strides = array<i32>} : memref<128x128xf32, #tpu.memory_space<vmem>>, vector<1x16xf32>,
      %get3A_294 = vector.shape_cast %get3A_293 : vector<1x16xf32> to vector<16xf32>
      %add3A_295 = arith.addf %get3A_290, %get3A_294 : vector<16xf32>
      %swap3A_296 = arith.index_cast %scan3A_246 : i32 to index
      %swap3A_297 = arith.constant 48 : index
      %swap3A_298 = tpu.vector_load %arg8[%swap3A_296, %swap3A_297] {strides = array<i32>} : memref<128x128xf32, #tpu.memory_space<vmem>>, vector<1x16xf32>,
      %swap3A_299 = vector.shape_cast %swap3A_298 : vector<1x16xf32> to vector<16xf32>
      %swap3A_300 = vector.shape_cast %add3A_295 : vector<16xf32> to vector<1x16xf32>
      tpu.vector_store %arg8[%swap3A_296, %swap3A_297], %swap3A_300 {strides = array<i32>} : memref<128x128xf32, #tpu.memory_space<vmem>>, vector<1x16xf32>,
      %get3A_301 = arith.index_cast %scan3A_246 : i32 to index
      %get3A_302 = arith.constant 64 : index
      %get3A_303 = tpu.vector_load %arg8[%get3A_301, %get3A_302] {strides = array<i32>} : memref<128x128xf32, #tpu.memory_space<vmem>>, vector<1x16xf32>,
      %get3A_304 = vector.shape_cast %get3A_303 : vector<1x16xf32> to vector<16xf32>
      %get3A_305 = arith.index_cast %scan3A_246 : i32 to index
      %get3A_306 = arith.constant 64 : index
      %get3A_307 = tpu.vector_load %arg7[%get3A_305, %get3A_306] {strides = array<i32>} : memref<128x128xf32, #tpu.memory_space<vmem>>, vector<1x16xf32>,
      %get3A_308 = vector.shape_cast %get3A_307 : vector<1x16xf32> to vector<16xf32>
      %add3A_309 = arith.addf %get3A_304, %get3A_308 : vector<16xf32>
      %swap3A_310 = arith.index_cast %scan3A_246 : i32 to index
      %swap3A_311 = arith.constant 64 : index
      %swap3A_312 = tpu.vector_load %arg8[%swap3A_310, %swap3A_311] {strides = array<i32>} : memref<128x128xf32, #tpu.memory_space<vmem>>, vector<1x16xf32>,
      %swap3A_313 = vector.shape_cast %swap3A_312 : vector<1x16xf32> to vector<16xf32>
      %swap3A_314 = vector.shape_cast %add3A_309 : vector<16xf32> to vector<1x16xf32>
      tpu.vector_store %arg8[%swap3A_310, %swap3A_311], %swap3A_314 {strides = array<i32>} : memref<128x128xf32, #tpu.memory_space<vmem>>, vector<1x16xf32>,
      %get3A_315 = arith.index_cast %scan3A_246 : i32 to index
      %get3A_316 = arith.constant 80 : index
      %get3A_317 = tpu.vector_load %arg8[%get3A_315, %get3A_316] {strides = array<i32>} : memref<128x128xf32, #tpu.memory_space<vmem>>, vector<1x16xf32>,
      %get3A_318 = vector.shape_cast %get3A_317 : vector<1x16xf32> to vector<16xf32>
      %get3A_319 = arith.index_cast %scan3A_246 : i32 to index
      %get3A_320 = arith.constant 80 : index
      %get3A_321 = tpu.vector_load %arg7[%get3A_319, %get3A_320] {strides = array<i32>} : memref<128x128xf32, #tpu.memory_space<vmem>>, vector<1x16xf32>,
      %get3A_322 = vector.shape_cast %get3A_321 : vector<1x16xf32> to vector<16xf32>
      %add3A_323 = arith.addf %get3A_318, %get3A_322 : vector<16xf32>
      %swap3A_324 = arith.index_cast %scan3A_246 : i32 to index
      %swap3A_325 = arith.constant 80 : index
      %swap3A_326 = tpu.vector_load %arg8[%swap3A_324, %swap3A_325] {strides = array<i32>} : memref<128x128xf32, #tpu.memory_space<vmem>>, vector<1x16xf32>,
      %swap3A_327 = vector.shape_cast %swap3A_326 : vector<1x16xf32> to vector<16xf32>
      %swap3A_328 = vector.shape_cast %add3A_323 : vector<16xf32> to vector<1x16xf32>
      tpu.vector_store %arg8[%swap3A_324, %swap3A_325], %swap3A_328 {strides = array<i32>} : memref<128x128xf32, #tpu.memory_space<vmem>>, vector<1x16xf32>,
      %get3A_329 = arith.index_cast %scan3A_246 : i32 to index
      %get3A_330 = arith.constant 96 : index
      %get3A_331 = tpu.vector_load %arg8[%get3A_329, %get3A_330] {strides = array<i32>} : memref<128x128xf32, #tpu.memory_space<vmem>>, vector<1x16xf32>,
      %get3A_332 = vector.shape_cast %get3A_331 : vector<1x16xf32> to vector<16xf32>
      %get3A_333 = arith.index_cast %scan3A_246 : i32 to index
      %get3A_334 = arith.constant 96 : index
      %get3A_335 = tpu.vector_load %arg7[%get3A_333, %get3A_334] {strides = array<i32>} : memref<128x128xf32, #tpu.memory_space<vmem>>, vector<1x16xf32>,
      %get3A_336 = vector.shape_cast %get3A_335 : vector<1x16xf32> to vector<16xf32>
      %add3A_337 = arith.addf %get3A_332, %get3A_336 : vector<16xf32>
      %swap3A_338 = arith.index_cast %scan3A_246 : i32 to index
      %swap3A_339 = arith.constant 96 : index
      %swap3A_340 = tpu.vector_load %arg8[%swap3A_338, %swap3A_339] {strides = array<i32>} : memref<128x128xf32, #tpu.memory_space<vmem>>, vector<1x16xf32>,
      %swap3A_341 = vector.shape_cast %swap3A_340 : vector<1x16xf32> to vector<16xf32>
      %swap3A_342 = vector.shape_cast %add3A_337 : vector<16xf32> to vector<1x16xf32>
      tpu.vector_store %arg8[%swap3A_338, %swap3A_339], %swap3A_342 {strides = array<i32>} : memref<128x128xf32, #tpu.memory_space<vmem>>, vector<1x16xf32>,
      %get3A_343 = arith.index_cast %scan3A_246 : i32 to index
      %get3A_344 = arith.constant 112 : index
      %get3A_345 = tpu.vector_load %arg8[%get3A_343, %get3A_344] {strides = array<i32>} : memref<128x128xf32, #tpu.memory_space<vmem>>, vector<1x16xf32>,
      %get3A_346 = vector.shape_cast %get3A_345 : vector<1x16xf32> to vector<16xf32>
      %get3A_347 = arith.index_cast %scan3A_246 : i32 to index
      %get3A_348 = arith.constant 112 : index
      %get3A_349 = tpu.vector_load %arg7[%get3A_347, %get3A_348] {strides = array<i32>} : memref<128x128xf32, #tpu.memory_space<vmem>>, vector<1x16xf32>,
      %get3A_350 = vector.shape_cast %get3A_349 : vector<1x16xf32> to vector<16xf32>
      %add3A_351 = arith.addf %get3A_346, %get3A_350 : vector<16xf32>
      %swap3A_352 = arith.index_cast %scan3A_246 : i32 to index
      %swap3A_353 = arith.constant 112 : index
      %swap3A_354 = tpu.vector_load %arg8[%swap3A_352, %swap3A_353] {strides = array<i32>} : memref<128x128xf32, #tpu.memory_space<vmem>>, vector<1x16xf32>,
      %swap3A_355 = vector.shape_cast %swap3A_354 : vector<1x16xf32> to vector<16xf32>
      %swap3A_356 = vector.shape_cast %add3A_351 : vector<16xf32> to vector<1x16xf32>
      tpu.vector_store %arg8[%swap3A_352, %swap3A_353], %swap3A_356 {strides = array<i32>} : memref<128x128xf32, #tpu.memory_space<vmem>>, vector<1x16xf32>,
    }
    %scan3A_190 = arith.constant 64 : i32
    %add3A_191 = arith.constant 64 : i32
    %add3A_192 = arith.addi %mul3A_2, %add3A_191 : i32
    %dma_start3A_193 = arith.constant 3 : i32
    %dma_start3A_194 = arith.constant 64 : i32
    %dma_start3A_195 = arith.constant 0 : i32
    %dma_start3A_196 = tpu.memref_slice %arg8[%dma_start3A_194, %dma_start3A_195] : memref<128x128xf32, #tpu.memory_space<vmem>> -> memref<64x128xf32, #tpu.memory_space<vmem>>
    %dma_start3A_197 = arith.constant 0 : i32
    %dma_start3A_198 = tpu.memref_slice %arg5[%dma_start3A_193, %add3A_192, %dma_start3A_197] : memref<4x4096x128xf32, #tpu.memory_space<hbm>> -> memref<1x64x128xf32, #tpu.memory_space<hbm>>
    %dma_start3A_199 = tpu.memref_squeeze %dma_start3A_198 : memref<1x64x128xf32, #tpu.memory_space<hbm>> -> memref<64x128xf32, #tpu.memory_space<hbm>>
    %dma_start3A_200 = arith.constant 0 : i32
    %dma_start3A_201 = tpu.memref_slice %arg5[%dma_start3A_193, %add3A_192, %dma_start3A_200] : memref<4x4096x128xf32, #tpu.memory_space<hbm>> -> memref<1x64x128xf32, #tpu.memory_space<hbm>>
    %dma_start3A_202 = tpu.memref_squeeze %dma_start3A_201 : memref<1x64x128xf32, #tpu.memory_space<hbm>> -> memref<64x128xf32, #tpu.memory_space<hbm>>
    %dma_start3A_203 = arith.constant 64 : i32
    %dma_start3A_204 = arith.constant 0 : i32
    %dma_start3A_205 = tpu.memref_slice %arg8[%dma_start3A_203, %dma_start3A_204] : memref<128x128xf32, #tpu.memory_space<vmem>> -> memref<64x128xf32, #tpu.memory_space<vmem>>
    tpu.enqueue_dma source(%dma_start3A_205 : memref<64x128xf32, #tpu.memory_space<vmem>>) target(%dma_start3A_202 : memref<64x128xf32, #tpu.memory_space<hbm>>) target_semaphore(%arg19 : memref<!tpu.dma_semaphore, #tpu.memory_space<semaphore_mem>>)
    %dma_wait3A_206 = arith.constant 3 : i32
    %dma_wait3A_207 = arith.constant 0 : i32
    %dma_wait3A_208 = arith.constant 0 : i32
    %dma_wait3A_209 = tpu.memref_slice %arg8[%dma_wait3A_207, %dma_wait3A_208] : memref<128x128xf32, #tpu.memory_space<vmem>> -> memref<64x128xf32, #tpu.memory_space<vmem>>
    %dma_wait3A_210 = arith.constant 0 : i32
    %dma_wait3A_211 = tpu.memref_slice %arg5[%dma_wait3A_206, %mul3A_2, %dma_wait3A_210] : memref<4x4096x128xf32, #tpu.memory_space<hbm>> -> memref<1x64x128xf32, #tpu.memory_space<hbm>>
    %dma_wait3A_212 = tpu.memref_squeeze %dma_wait3A_211 : memref<1x64x128xf32, #tpu.memory_space<hbm>> -> memref<64x128xf32, #tpu.memory_space<hbm>>
    %dma_wait3A_213 = arith.constant 0 : i32
    %dma_wait3A_214 = tpu.memref_slice %arg5[%dma_wait3A_206, %mul3A_2, %dma_wait3A_213] : memref<4x4096x128xf32, #tpu.memory_space<hbm>> -> memref<1x64x128xf32, #tpu.memory_space<hbm>>
    %dma_wait3A_215 = tpu.memref_squeeze %dma_wait3A_214 : memref<1x64x128xf32, #tpu.memory_space<hbm>> -> memref<64x128xf32, #tpu.memory_space<hbm>>
    %dma_wait3A_216 = arith.constant 0 : i32
    %dma_wait3A_217 = arith.constant 0 : i32
    %dma_wait3A_218 = tpu.memref_slice %arg8[%dma_wait3A_216, %dma_wait3A_217] : memref<128x128xf32, #tpu.memory_space<vmem>> -> memref<64x128xf32, #tpu.memory_space<vmem>>
    tpu.wait_dma2 semaphore(%arg11 : memref<!tpu.dma_semaphore, #tpu.memory_space<semaphore_mem>>) src(%dma_wait3A_218 : memref<64x128xf32, #tpu.memory_space<vmem>>) dst(%dma_wait3A_215 : memref<64x128xf32, #tpu.memory_space<hbm>>)
    %dma_wait3A_219 = arith.constant 1 : i32
    %dma_wait3A_220 = arith.constant 0 : i32
    %dma_wait3A_221 = tpu.memref_slice %arg5[%dma_wait3A_219, %mul3A_2, %dma_wait3A_220] : memref<4x4096x128xf32, #tpu.memory_space<hbm>> -> memref<1x128x128xf32, #tpu.memory_space<hbm>>
    %dma_wait3A_222 = tpu.memref_squeeze %dma_wait3A_221 : memref<1x128x128xf32, #tpu.memory_space<hbm>> -> memref<128x128xf32, #tpu.memory_space<hbm>>
    %dma_wait3A_223 = arith.constant 0 : i32
    %dma_wait3A_224 = tpu.memref_slice %arg5[%dma_wait3A_219, %mul3A_2, %dma_wait3A_223] : memref<4x4096x128xf32, #tpu.memory_space<hbm>> -> memref<1x128x128xf32, #tpu.memory_space<hbm>>
    %dma_wait3A_225 = tpu.memref_squeeze %dma_wait3A_224 : memref<1x128x128xf32, #tpu.memory_space<hbm>> -> memref<128x128xf32, #tpu.memory_space<hbm>>
    tpu.wait_dma2 semaphore(%arg20 : memref<!tpu.dma_semaphore, #tpu.memory_space<semaphore_mem>>) src(%arg9 : memref<128x128xf32, #tpu.memory_space<vmem>>) dst(%dma_wait3A_225 : memref<128x128xf32, #tpu.memory_space<hbm>>)
    %dma_wait3A_226 = arith.constant 2 : i32
    %dma_wait3A_227 = arith.constant 0 : i32
    %dma_wait3A_228 = tpu.memref_slice %arg5[%dma_wait3A_226, %mul3A_2, %dma_wait3A_227] : memref<4x4096x128xf32, #tpu.memory_space<hbm>> -> memref<1x128x128xf32, #tpu.memory_space<hbm>>
    %dma_wait3A_229 = tpu.memref_squeeze %dma_wait3A_228 : memref<1x128x128xf32, #tpu.memory_space<hbm>> -> memref<128x128xf32, #tpu.memory_space<hbm>>
    %dma_wait3A_230 = arith.constant 0 : i32
    %dma_wait3A_231 = tpu.memref_slice %arg5[%dma_wait3A_226, %mul3A_2, %dma_wait3A_230] : memref<4x4096x128xf32, #tpu.memory_space<hbm>> -> memref<1x128x128xf32, #tpu.memory_space<hbm>>
    %dma_wait3A_232 = tpu.memref_squeeze %dma_wait3A_231 : memref<1x128x128xf32, #tpu.memory_space<hbm>> -> memref<128x128xf32, #tpu.memory_space<hbm>>
    tpu.wait_dma2 semaphore(%arg21 : memref<!tpu.dma_semaphore, #tpu.memory_space<semaphore_mem>>) src(%arg10 : memref<128x128xf32, #tpu.memory_space<vmem>>) dst(%dma_wait3A_232 : memref<128x128xf32, #tpu.memory_space<hbm>>)
    %dma_wait3A_233 = arith.constant 3 : i32
    %dma_wait3A_234 = arith.constant 64 : i32
    %dma_wait3A_235 = arith.constant 0 : i32
    %dma_wait3A_236 = tpu.memref_slice %arg8[%dma_wait3A_234, %dma_wait3A_235] : memref<128x128xf32, #tpu.memory_space<vmem>> -> memref<64x128xf32, #tpu.memory_space<vmem>>
    %dma_wait3A_237 = arith.constant 0 : i32
    %dma_wait3A_238 = tpu.memref_slice %arg5[%dma_wait3A_233, %add3A_192, %dma_wait3A_237] : memref<4x4096x128xf32, #tpu.memory_space<hbm>> -> memref<1x64x128xf32, #tpu.memory_space<hbm>>
    %dma_wait3A_239 = tpu.memref_squeeze %dma_wait3A_238 : memref<1x64x128xf32, #tpu.memory_space<hbm>> -> memref<64x128xf32, #tpu.memory_space<hbm>>
    %dma_wait3A_240 = arith.constant 0 : i32
    %dma_wait3A_241 = tpu.memref_slice %arg5[%dma_wait3A_233, %add3A_192, %dma_wait3A_240] : memref<4x4096x128xf32, #tpu.memory_space<hbm>> -> memref<1x64x128xf32, #tpu.memory_space<hbm>>
    %dma_wait3A_242 = tpu.memref_squeeze %dma_wait3A_241 : memref<1x64x128xf32, #tpu.memory_space<hbm>> -> memref<64x128xf32, #tpu.memory_space<hbm>>
    %dma_wait3A_243 = arith.constant 64 : i32
    %dma_wait3A_244 = arith.constant 0 : i32
    %dma_wait3A_245 = tpu.memref_slice %arg8[%dma_wait3A_243, %dma_wait3A_244] : memref<128x128xf32, #tpu.memory_space<vmem>> -> memref<64x128xf32, #tpu.memory_space<vmem>>
    tpu.wait_dma2 semaphore(%arg19 : memref<!tpu.dma_semaphore, #tpu.memory_space<semaphore_mem>>) src(%dma_wait3A_245 : memref<64x128xf32, #tpu.memory_space<vmem>>) dst(%dma_wait3A_242 : memref<64x128xf32, #tpu.memory_space<hbm>>)
    return
  }
}

</mosaic_0001>

<sc_bundles>
// kernel: kernel.3.cloned.1.call-start
scs
__scs_entry_jumppad:
0x0: {  	(pc) =	sbr.rel $0x88, $3  }
0x1: {  	(tag) =	ssettag $0x0;
	lr =	simm.s32 $0x1  }
0x2: {  	[smem:$0x3F9E] =	sst lr;
	_ =	strace $0xD0000000  }
0x3: {  	_ = 	snop  }
0x4: {  	_ = 	snop  }
0x5: {  	_ = 	snop  }
0x6: {  	_ = 	snop  }
0x7: {  	_ = 	snop  }
__scs_overlays_trampoline_lowered:
0x8: {  	[smem:$0x3FAD] =	sst s0  }
0x9: {  	[smem:$0x3FAE] =	sst s1  }
0xa: {  	[smem:$0x3FAF] =	sst s2  }
0xb: {  	[smem:$0x3FB0] =	sst s3  }
0xc: {  	[smem:$0x3FB1] =	sst s4  }
0xd: {  	[smem:$0x3FB2] =	sst s5  }
0xe: {  	[smem:$0x3FB3] =	sst s6  }
0xf: {  	[smem:$0x3FB4] =	sst s7  }
0x10: {  	[smem:$0x3FB5] =	sst s8  }
0x11: {  	[smem:$0x3FB6] =	sst s9;
	s0 =	simm.s32 @!p0 $0x0  }
0x12: {  	s1 =	sld [smem:$0x3F9C];
	s0 =	simm.s32 @p0 $0x1  }
0x13: {  	[smem:$0x3FB7] =	sst s0;
	s0 =	simm.s32 @!p1 $0x0  }
0x14: {  	s2 =	sld [smem:$0x3F9B];
	s0 =	simm.s32 @p1 $0x1  }
0x15: {  	[smem:$0x3FB8] =	sst s0;
	s0 =	simm.s32 @!p2 $0x0  }
0x16: {  	s3 =	sld [smem:$0x3FDB];
	s0 =	simm.s32 @p2 $0x1  }
0x17: {  	s4 =	simm.s32 $0x1BF5;
	[smem:$0x3FBA] =	sst s0  }
0x18: {  	s0 =	sld [smem:$0x3F9D];
	_ =	swait.ge [sflag:s4], $0x0  }
0x19: {  	s7 =	sld [smem:$0x3F9E]  }
0x1a: {  	s8 =	sadd.s32 $0xFFFFE003, lr  }
0x1b: {  	s9 =	sadd.s32 $0xFFFFFEF7, lr;
	s5 =	simm.s32 $0xFFFFFFFF;
	p2 =	slt.u32 s8, $0xFFFFF086  }
0x1c: {  	p1 =	slt.u32 s9, $0xF7A;
	s5 =	simm.s32 @!p2 $0x0  }
0x1d: {  	s5 =	simm.s32 @p1 $0x1;
	p0 =	seq.s32 s7, s2  }
0x1e: {  	s7 =	smul.u32 @!p0 $0xF7A, s2;
	p2 =	seq.s32 @!p0 s5, $0x0  }
0x1f: {  	s9 =	smul.u32 $0xF7A, s1;
	s8 =	simm.s32 @!p0 $0x1BF5;
	p2 =	por !p2, p0  }
0x20: {  	[sflag:s8] =	ssyncset.s32 @!p0 $0xFFFFF086;
	s6 =	sadd.s32 @!p0 s3, s7;
	s7 =	simm.s32 @!p0 $0x108  }
0x21: {  	s3 =	sadd.s32 s3, s9;
	s6 =	sadd.s32 @!p0 $0x88, s6;
	s7 =	simm.s32 @p2 $0x1082  }
0x22: {  	[simem:s7], [sflag:s8] =	dma.local @!p0 [hbm:s6], $0xF7A  }
0x23: {  	s9 =	sor.u32 $0xD0000000, s2;
	s6 =	simm.s32 $0x108;
	_ =	swait.ge @!p0 [sflag:s8], $0x0  }
0x24: {  	s3 =	sadd.s32 $0x88, s3;
	s6 =	simm.s32 @!p1 $0x1082;
	[sflag:s4] =	ssyncset.s32 $0xFFFFF086  }
0x25: {  	[simem:s6], [sflag:s4] =	dma.local [hbm:s3], $0xF7A  }
0x26: {  	[smem:$0x3F9E] =	sst s1;
	(tag) =	ssettag s2;
	_ =	strace s9  }
0x27: {  	s1 =	sld [smem:$0x3FAE]  }
0x28: {  	s2 =	sld [smem:$0x3FAF]  }
0x29: {  	s4 =	sld [smem:$0x3FB1]  }
0x2a: {  	p0 =	seq.s32 s5, $0x0;
	s5 =	sld [smem:$0x3FB2]  }
0x2b: {  	s6 =	sld [smem:$0x3FB3]  }
0x2c: {  	s7 =	sld [smem:$0x3FB4]  }
0x2d: {  	s3 =	simm.s32 $0x108;
	s8 =	sld [smem:$0x3FB5]  }
0x2e: {  	s3 =	simm.s32 @!p0 $0x1082;
	s9 =	sld [smem:$0x3FB6]  }
0x2f: {  	lr =	sadd.s32 s0, s3;
	s0 =	sld [smem:$0x3FAD]  }
0x30: {  	s3 =	sld [smem:$0x3FB0]  }
0x31: {  	[smem:$0x3FB9] =	sst s10  }
0x32: {  	s10 =	sld [smem:$0x3FB7];
	_ =	sdelay $0x3  }
0x33: {  	p0 =	seq.s32 s10, $0x1;
	s10 =	sld [smem:$0x3FB9];
	_ =	sdelay $0x3  }
0x34: {  	[smem:$0x3FB9] =	sst s10  }
0x35: {  	s10 =	sld [smem:$0x3FB8];
	_ =	sdelay $0x3  }
0x36: {  	p1 =	seq.s32 s10, $0x1;
	s10 =	sld [smem:$0x3FB9];
	_ =	sdelay $0x3  }
0x37: {  	[smem:$0x3FB9] =	sst s10  }
0x38: {  	s10 =	sld [smem:$0x3FBA]  }
0x39: {  	_ = 	snop;
	(pc) =	sbr.ind lr, $3  }
0x3a: {  	_ = 	snop  }
0x3b: {  	_ = 	snop  }
0x3c: {  	p2 =	seq.s32 s10, $0x1;
	s10 =	sld [smem:$0x3FB9]  }
0x3d: {  	_ =	shalt  }
0x3e: {  	_ =	shalt  }
0x3f: {  	_ =	shalt  }
0x40: {  	_ =	shalt  }
0x41: {  	_ =	shalt  }
0x42: {  	_ =	shalt  }
0x43: {  	_ =	shalt  }
0x44: {  	_ =	shalt  }
0x45: {  	_ =	shalt  }
0x46: {  	_ =	shalt  }
0x47: {  	_ =	shalt  }
0x48: {  	_ =	shalt  }
0x49: {  	_ =	shalt  }
0x4a: {  	_ =	shalt  }
0x4b: {  	_ =	shalt  }
0x4c: {  	_ =	shalt  }
0x4d: {  	_ =	shalt  }
0x4e: {  	_ =	shalt  }
0x4f: {  	_ =	shalt  }
0x50: {  	_ =	shalt  }
0x51: {  	_ =	shalt  }
0x52: {  	_ =	shalt  }
0x53: {  	_ =	shalt  }
0x54: {  	_ =	shalt  }
0x55: {  	_ =	shalt  }
0x56: {  	_ =	shalt  }
0x57: {  	_ =	shalt  }
0x58: {  	_ =	shalt  }
0x59: {  	_ =	shalt  }
0x5a: {  	_ =	shalt  }
0x5b: {  	_ =	shalt  }
0x5c: {  	_ =	shalt  }
0x5d: {  	_ =	shalt  }
0x5e: {  	_ =	shalt  }
0x5f: {  	_ =	shalt  }
0x60: {  	_ =	shalt  }
0x61: {  	_ =	shalt  }
0x62: {  	_ =	shalt  }
0x63: {  	_ =	shalt  }
0x64: {  	_ =	shalt  }
0x65: {  	_ =	shalt  }
0x66: {  	_ =	shalt  }
0x67: {  	_ =	shalt  }
0x68: {  	_ =	shalt  }
0x69: {  	_ =	shalt  }
0x6a: {  	_ =	shalt  }
0x6b: {  	_ =	shalt  }
0x6c: {  	_ =	shalt  }
0x6d: {  	_ =	shalt  }
0x6e: {  	_ =	shalt  }
0x6f: {  	_ =	shalt  }
0x70: {  	_ =	shalt  }
0x71: {  	_ =	shalt  }
0x72: {  	_ =	shalt  }
0x73: {  	_ =	shalt  }
0x74: {  	_ =	shalt  }
0x75: {  	_ =	shalt  }
0x76: {  	_ =	shalt  }
0x77: {  	_ =	shalt  }
0x78: {  	_ =	shalt  }
0x79: {  	_ =	shalt  }
0x7a: {  	_ =	shalt  }
0x7b: {  	_ =	shalt  }
0x7c: {  	_ =	shalt  }
0x7d: {  	_ =	shalt  }
0x7e: {  	_ =	shalt  }
0x7f: {  	_ =	shalt  }
0x80: {  	_ =	shalt  }
0x81: {  	_ =	shalt  }
0x82: {  	_ =	shalt  }
0x83: {  	_ =	shalt  }
0x84: {  	_ =	shalt  }
0x85: {  	_ =	shalt  }
0x86: {  	_ =	shalt  }
0x87: {  	_ =	shalt  }
.Lfunc_end0:
.L_simem_size_0:
called_computation_lowered:
.L_overlay_start_0:
0x88: {  	s2 =	sld [smem:$0x3FD9]  }
0x89: {  	s3 =	sld [smem:$0x3FFE];
	_ =	sdelay $0x1  }
0x8a: {  	s1 =	srdreg.scid  }
0x8b: {  	s0 =	sand.u32 $0x1, s1  }
0x8c: {  	s18 =	sshll.u32 s0, $0xA;
	s2 =	sadd.s32 s3, s2  }
0x8d: {  	s2 =	sadd.s32 s2, s18  }
0x8e: {  	[smem:$0x3FC5] =	sst s2  }
0x8f: {  	_ = 	snop  }
0x90: {  	s2 =	sld [smem:$0x3FC9]  }
0x91: {  	s19 =	sld [smem:$0x3FC8]  }
0x92: {  	s4 =	sld [smem:$0x3FC7]  }
0x93: {  	s5 =	sld [smem:$0x3FD0];
	(tm) =	ssettm $0x1  }
0x94: {  	s6 =	sld [smem:$0x3FFB];
	_ =	sdelay $0x3  }
0x95: {  	_ =	strace s6  }
0x96: {  	s6 =	sld [smem:$0x3FFC];
	_ =	sdelay $0x3  }
0x97: {  	_ =	strace s6  }
0x98: {  	s6 =	sld [smem:$0x3FFD];
	_ =	sdelay $0x3  }
0x99: {  	_ =	strace s6  }
0x9a: {  	_ =	strace $0x8FFFFFFF  }
0x9b: {  	s20 =	sld [smem:$0x3FDB];
	_ =	sdelay $0x1  }
0x9c: {  	s7 =	simm.s32 $_scs_section_size  }
0x9d: {  	s8 =	simm.s32 $_size__tile_overlayer_lowered;
	s9 =	simm.s32 $_tile_overlayer_lowered  }
0x9e: {  	s23 =	simm.s32 $0x1BFF;
	s22 =	sshll.u32 s9, $0x1;
	s6 =	sadd.s32 s7, s20  }
0x9f: {  	s10 =	simm.s32 $0x0;
	s21 =	sshll.u32 s8, $0x1;
	s8 =	sadd.s32 s22, s6  }
0xa0: {  	[timem:s10], [sflag:s23] =	dma.local [hbm:s8], s21  }
0xa1: {  	_ =	swait.ge [sflag:s23], s21  }
0xa2: {  	s7 =	ssub.s32 $0x0, s21;
	[sflag:s23] =	ssyncset.done $0x0  }
0xa3: {  	[sflag:s23] =	ssyncadd.s32 s7;
	_ =	sdelay $0x1  }
0xa4: {  	s24 =	simm.s32 $0x1B8B  }
0xa5: {  	_ =	swait.ge [sflag:s24], $0x1  }
0xa6: {  	[sflag:s24] =	ssyncset.done $0x0  }
0xa7: {  	s25 =	simm.s32 $0x1B8E;
	[sflag:s24] =	ssyncadd.s32 $0xFFFFFFFF  }
0xa8: {  	s26 =	simm.s32 $execute0_lowered;
	[smem:$0x3FD2] =	sst s25  }
0xa9: {  	s7 =	sshll.u32 s26, $0x1;
	_ =	strace $0x80000046;
	[dreg:$0x1] =	wrdreg $0xFFFFFFFF  }
0xaa: {  	s28 =	simm.s32 $_size_execute0_lowered;
	s6 =	sadd.s32 s6, s7;
	[dreg:$0x0] =	wrdreg $0x0  }
0xab: {  	s7 =	sshll.u32 s28, $0x1;
	[dreg:$0x2] =	wrdreg s6  }
0xac: {  	[dreg:$0x3] =	wrdreg s7  }
0xad: {  	[dreg:$0x4] =	wrdreg $0xC0  }
0xae: {  	_ =	task [dreg:s10], $0x5FFFF  }
0xaf: {  	[dreg:$0x1] =	wrdreg $0xFFFFFFFF  }
0xb0: {  	[dreg:$0x0] =	wrdreg $0x60  }
0xb1: {  	[dreg:$0x2] =	wrdreg s2  }
0xb2: {  	[dreg:$0x3] =	wrdreg s19  }
0xb3: {  	[dreg:$0x4] =	wrdreg s4  }
0xb4: {  	[dreg:$0x5] =	wrdreg s5  }
0xb5: {  	[dreg:$0x6] =	wrdreg $0x9  }
0xb6: {  	_ =	task.clear_ibuf [dreg:s10], $0x7FFFF;
	_ =	strace $0x90000046  }
0xb7: {  	s29 =	simm.s32 $0x9;
	_ =	strace $0x80000048  }
0xb8: {  	_ =	swait.ge [sflag:s29], $0x1  }
0xb9: {  	[sflag:s29] =	ssyncadd.s32 $0xFFFFFFFF  }
0xba: {  	_ =	strace $0x90000048  }
0xbb: {  	_ =	sfence  }
0xbc: {  	s30 =	sld [smem:$0x0];
	_ =	sdelay $0x2  }
0xbd: {  	s31 =	sshll.u32 s1, $0xD;
	s1 =	sshrl.u32 s1, $0x2  }
0xbe: {  	s3 =	sand.u32 $0x4000, s31;
	s1 =	sadd.s32 s1, s30  }
0xbf: {  	s0 =	sor.u32 s3, s0;
	s1 =	sshll.u32 s1, $0x11  }
0xc0: {  	s0 =	sor.u32 s1, s0  }
0xc1: {  	s0 =	sadd.s32 $0x8F2B, s0  }
0xc2: {  	[sflag:s0] =	ssyncadd.remote.s32 $0x1  }
0xc3: {  	_ =	sfence.sel $0xFFFF  }
0xc4: {  	[dreg:$0x0] =	wrdreg $0xFFFFFFFF;
	(pc) =	sbr.abs _section_cstart, $3  }
0xc5: {  	[dreg:$0x1] =	wrdreg $0xFFFFFFFF  }
0xc6: {  	_ =	task.clear_ibuf [dreg:s10], $0x2FFFF;
	_ =	strace $0x9FFFFFFF  }
0xc7: {  	(tm) =	ssettm $0x7FFFFFFF  }
tec
execute0_lowered:
.L_overlay_start_1:
0x0: {  	(tag) =	ssettag $0x1  }
0x1: {  	s0 =	rddreg [dreg:$0x0]  }
0x2: {  	s1 =	rddreg [dreg:$0x1]  }
0x3: {  	s2 =	rddreg [dreg:$0x2]  }
0x4: {  	s5 =	rddreg [dreg:$0x3];
	s3 =	srdreg.scid  }
0x5: {  	s6 =	stileid.u32;
	s16 =	simm.s32 $0x80;
	s17 =	simm.s32 $0x100  }
0x6: {  	s18 =	simm.s32 $0x180;
	s19 =	simm.s32 $0x1;
	s20 =	simm.s32 $0x4200  }
0x7: {  	s21 =	simm.s32 $0x2;
	s22 =	simm.s32 $0x8200;
	s28 =	simm.s32 $0x7  }
0x8: {  	s29 =	simm.s32 $0x9;
	s30 =	simm.s32 $0x4;
	s31 =	simm.s32 $0x8  }
0x9: {  	s15 =	simm.s32 $0xB;
	s4 =	sand.u32 $0x1, s3;
	s3 =	simm.s32 $0x0  }
0xa: {  	s6 =	sshll.u32 s6, $0x8;
	s7 =	sshll.u32 s4, $0x7;
	s4 =	ssub.s32 $0x2, s4  }
0xb: {  	[smem:$0x7FF] =	sst s3;
	s6 =	sor.u32 s7, s6;
	s23 =	sshrl.u32 s4, $0x1  }
0xc: {  	_ =	strace $0x80000047;
	s8 =	sshrl.u32 s6, $0x1;
	s14 =	ssub.s32 s4, s23  }
0xd: {  	s6 =	sshll.u32 s6, $0x4;
	s23 =	simm.s32 $0x5;
	s4 =	sadd.s32 s0, s8  }
0xe: {  	s24 =	sadd.s32 s2, s6;
	s7 =	sadd.s32 s5, s6;
	s14 =	smax.u32 s14, $0x1  }
0xf: {  	s2 =	simm.s32 $0xA;
	s0 =	simm.s32 $0x0;
	[dreg:$0x5] =	wrdreg s24  }
0x10: {  	s25 =	sadd.s32 $0x10, s4;
	s26 =	sadd.s32 $0x20, s4;
	s9 =	sadd.s32 $0x30, s4  }
0x11: {  	s10 =	sadd.s32 $0x10000, s7;
	s11 =	sadd.s32 $0x20000, s7;
	s12 =	sadd.s32 $0x30000, s7  }
0x12: {  	s13 =	sadd.s32 $0x30400, s7;
	s24 =	simm.s32 $0x6;
	[dreg:$0x6] =	wrdreg s25  }
0x13: {  	[dreg:$0x7] =	wrdreg s26;
	s25 =	simm.s32 $0x3;
	s26 =	simm.s32 $0xC200  }
.LBB2_1:
0x14: {  	s5 =	rddreg [dreg:$0x5];
	s6 =	simm.s32 $0x200  }
0x15: {  	[tilespmem:s6], [sflag:$0x5] =	stream.linear.gather [hbm4b:s5+s3], $0x4000, $0x38;
	[tilespmem:$0x10200] =	vst v63  }
0x16: {  	_ = 	snop  }
0x17: {  	[tilespmem:s3], [sflag:$0x1] =	stream.linear.gather [hbm4b:s4+s3], $0x80, $0x38;
	[tilespmem:$0x10200] =	vst v63  }
0x18: {  	s6 =	rddreg [dreg:$0x6]  }
0x19: {  	[tilespmem:s16], [sflag:$0x2] =	stream.linear.gather [hbm4b:s6+s3], $0x80, $0x38;
	[tilespmem:$0x10200] =	vst v63  }
0x1a: {  	s8 =	rddreg [dreg:$0x7]  }
0x1b: {  	[tilespmem:s17], [sflag:$0x3] =	stream.linear.gather [hbm4b:s8+s3], $0x80, $0x38;
	[tilespmem:$0x10200] =	vst v63  }
0x1c: {  	_ = 	snop  }
0x1d: {  	[tilespmem:s18], [sflag:$0x4] =	stream.linear.gather [hbm4b:s9+s3], $0x80, $0x38;
	[tilespmem:$0x10200] =	vst v63  }
0x1e: {  	_ =	swait.ge [sflag:s19], $0x80  }
0x1f: {  	[sflag:s19] =	ssyncset.done $0x0  }
0x20: {  	[sflag:s19] =	ssyncadd.s32 $0xFFFFFF80  }
0x21: {  	[tilespmem:s20], [sflag:$0x6] =	stream.indirect.gather [hbm4b:s1+s16], $0x80, s3, s16, $0xb8;
	[tilespmem:$0x10200] =	vst v63  }
0x22: {  	_ =	swait.ge [sflag:s21], $0x80  }
0x23: {  	[sflag:s21] =	ssyncset.done $0x0  }
0x24: {  	[sflag:s21] =	ssyncadd.s32 $0xFFFFFF80  }
0x25: {  	[tilespmem:s22], [sflag:$0x7] =	stream.indirect.gather [hbm4b:s1+s16], $0x80, s16, s16, $0xb8;
	[tilespmem:$0x10200] =	vst v63  }
0x26: {  	_ =	swait.ge [sflag:s23], $0x4000  }
0x27: {  	[sflag:s23] =	ssyncset.done $0x0  }
0x28: {  	[sflag:s23] =	ssyncadd.s32 $0xFFFFC000  }
0x29: {  	_ =	swait.ge [sflag:s24], $0x4000  }
0x2a: {  	[sflag:s24] =	ssyncset.done $0x0  }
0x2b: {  	[sflag:s24] =	ssyncadd.s32 $0xFFFFC000  }
0x2c: {  	_ =	swait.ge [sflag:s25], $0x80  }
0x2d: {  	[sflag:s25] =	ssyncset.done $0x0  }
0x2e: {  	s5 =	simm.s32 $0x0;
	[sflag:s25] =	ssyncadd.s32 $0xFFFFFF80  }
0x2f: {  	[tilespmem:s26], [sflag:$0x8] =	stream.indirect.gather [hbm4b:s1+s16], $0x80, s17, s16, $0xb8;
	[tilespmem:$0x10200] =	vst v63  }
0x30: {  	v7 =	vld [tilespmem:s5+$0x200]  }
0x31: {  	v11 =	vld [tilespmem:s5+$0x210]  }
0x32: {  	v5 =	vld [tilespmem:s5+$0x220]  }
0x33: {  	v4 =	vld [tilespmem:s5+$0x230]  }
0x34: {  	v3 =	vld [tilespmem:s5+$0x240]  }
0x35: {  	v2 =	vld [tilespmem:s5+$0x250]  }
0x36: {  	v1 =	vld [tilespmem:s5+$0x260]  }
0x37: {  	v0 =	vld [tilespmem:s5+$0x270]  }
0x38: {  	v12 =	vld [tilespmem:s5+$0x4200]  }
0x39: {  	v13 =	vld [tilespmem:s5+$0x4210]  }
0x3a: {  	v10 =	vld [tilespmem:s5+$0x4220]  }
0x3b: {  	v9 =	vld [tilespmem:s5+$0x4230]  }
0x3c: {  	v8 =	vld [tilespmem:s5+$0x4240]  }
0x3d: {  	v6 =	vld [tilespmem:s5+$0x4250];
	v12 =	vadd.f32 v7, v12  }
0x3e: {  	s6 =	simm.s32 $0x200;
	v11 =	vadd.f32 v11, v13;
	v7 =	vld [tilespmem:s5+$0x4260]  }
.LBB2_2:
0x3f: {  	s8 =	sshra.s32 s6, $0x2;
	p0 =	sne.s32 s6, $0xFE00;
	[tilespmem:s5+$0x4200] =	vst v12;
	v5 =	vadd.f32 v5, v10;
	v10 =	vld [tilespmem:s5+$0x4270]  }
0x40: {  	v12 =	vld [tilespmem:s8+$0x200];
	[tilespmem:s5+$0x4210] =	vst v11;
	v4 =	vadd.f32 v4, v9  }
0x41: {  	v11 =	vld [tilespmem:s8+$0x210];
	[tilespmem:s5+$0x4220] =	vst v5;
	v3 =	vadd.f32 v3, v8  }
0x42: {  	v5 =	vld [tilespmem:s8+$0x220];
	[tilespmem:s5+$0x4230] =	vst v4;
	v2 =	vadd.f32 v2, v6  }
0x43: {  	v4 =	vld [tilespmem:s8+$0x230];
	[tilespmem:s5+$0x4240] =	vst v3;
	v1 =	vadd.f32 v1, v7  }
0x44: {  	v3 =	vld [tilespmem:s8+$0x240];
	[tilespmem:s5+$0x4250] =	vst v2;
	v0 =	vadd.f32 v0, v10  }
0x45: {  	v2 =	vld [tilespmem:s8+$0x250];
	[tilespmem:s5+$0x4260] =	vst v1  }
0x46: {  	v1 =	vld [tilespmem:s8+$0x260];
	[tilespmem:s5+$0x4270] =	vst v0;
	s5 =	smov.u32 s8  }
0x47: {  	v0 =	vld [tilespmem:s5+$0x270]  }
0x48: {  	v6 =	vld [tilespmem:s5+$0x4200]  }
0x49: {  	v7 =	vld [tilespmem:s5+$0x4210]  }
.Ltmp0:
0x4a: {  	v10 =	vld [tilespmem:s5+$0x4220];
	(pc) =	sbr.rel @p0 .LBB2_2-.Ltmp0, $4  }
0x4b: {  	v9 =	vld [tilespmem:s5+$0x4230]  }
0x4c: {  	v8 =	vld [tilespmem:s5+$0x4240]  }
0x4d: {  	v12 =	vadd.f32 v12, v6;
	v6 =	vld [tilespmem:s5+$0x4250]  }
0x4e: {  	s6 =	sadd.s32 $0x200, s6;
	v11 =	vadd.f32 v11, v7;
	v7 =	vld [tilespmem:s5+$0x4260]  }
0x4f: {  	[tilespmem:s5+$0x4200] =	vst v12;
	v5 =	vadd.f32 v5, v10;
	v10 =	vld [tilespmem:s5+$0x4270]  }
0x50: {  	[tilespmem:s5+$0x4210] =	vst v11;
	v4 =	vadd.f32 v4, v9  }
0x51: {  	[tilespmem:s5+$0x4220] =	vst v5;
	v3 =	vadd.f32 v3, v8  }
0x52: {  	[tilespmem:s5+$0x4230] =	vst v4;
	v2 =	vadd.f32 v2, v6  }
0x53: {  	[tilespmem:s5+$0x4240] =	vst v3;
	v1 =	vadd.f32 v1, v7  }
0x54: {  	[tilespmem:s5+$0x4250] =	vst v2;
	v0 =	vadd.f32 v0, v10  }
0x55: {  	[tilespmem:s5+$0x4260] =	vst v1  }
0x56: {  	s8 =	simm.s32 $0x0;
	[tilespmem:s5+$0x4270] =	vst v0  }
0x57: {  	[hbm4b:s7+s8] =	stream.linear.scatter [tilespmem:s20], [sflag:$0x9], $0x4000, $0x38;
	[tilespmem:$0x10200] =	vst v63  }
0x58: {  	_ =	swait.ge [sflag:s28], $0x4000  }
0x59: {  	[sflag:s28] =	ssyncset.done $0x0  }
0x5a: {  	[sflag:s28] =	ssyncadd.s32 $0xFFFFC000  }
0x5b: {  	_ =	swait.ge [sflag:s29], $0x4000  }
0x5c: {  	[sflag:s29] =	ssyncset.done $0x0  }
0x5d: {  	[sflag:s29] =	ssyncadd.s32 $0xFFFFC000  }
0x5e: {  	_ =	swait.ge [sflag:s30], $0x80  }
0x5f: {  	[sflag:s30] =	ssyncset.done $0x0  }
0x60: {  	s5 =	simm.s32 $0x0;
	[sflag:s30] =	ssyncadd.s32 $0xFFFFFF80  }
0x61: {  	[tilespmem:s20], [sflag:$0x6] =	stream.indirect.gather [hbm4b:s1+s16], $0x80, s18, s16, $0xb8;
	[tilespmem:$0x10200] =	vst v63  }
0x62: {  	v7 =	vld [tilespmem:s5+$0x200]  }
0x63: {  	v11 =	vld [tilespmem:s5+$0x210]  }
0x64: {  	v5 =	vld [tilespmem:s5+$0x220]  }
0x65: {  	v4 =	vld [tilespmem:s5+$0x230]  }
0x66: {  	v3 =	vld [tilespmem:s5+$0x240]  }
0x67: {  	v2 =	vld [tilespmem:s5+$0x250]  }
0x68: {  	v1 =	vld [tilespmem:s5+$0x260]  }
0x69: {  	v0 =	vld [tilespmem:s5+$0x270]  }
0x6a: {  	v12 =	vld [tilespmem:s5+$0x8200]  }
0x6b: {  	v13 =	vld [tilespmem:s5+$0x8210]  }
0x6c: {  	v10 =	vld [tilespmem:s5+$0x8220]  }
0x6d: {  	v9 =	vld [tilespmem:s5+$0x8230]  }
0x6e: {  	v8 =	vld [tilespmem:s5+$0x8240]  }
0x6f: {  	v6 =	vld [tilespmem:s5+$0x8250];
	v12 =	vadd.f32 v7, v12  }
0x70: {  	s6 =	simm.s32 $0x200;
	v11 =	vadd.f32 v11, v13;
	v7 =	vld [tilespmem:s5+$0x8260]  }
.LBB2_4:
0x71: {  	s8 =	sshra.s32 s6, $0x2;
	p0 =	sne.s32 s6, $0xFE00;
	[tilespmem:s5+$0x8200] =	vst v12;
	v5 =	vadd.f32 v5, v10;
	v10 =	vld [tilespmem:s5+$0x8270]  }
0x72: {  	v12 =	vld [tilespmem:s8+$0x200];
	[tilespmem:s5+$0x8210] =	vst v11;
	v4 =	vadd.f32 v4, v9  }
0x73: {  	v11 =	vld [tilespmem:s8+$0x210];
	[tilespmem:s5+$0x8220] =	vst v5;
	v3 =	vadd.f32 v3, v8  }
0x74: {  	v5 =	vld [tilespmem:s8+$0x220];
	[tilespmem:s5+$0x8230] =	vst v4;
	v2 =	vadd.f32 v2, v6  }
0x75: {  	v4 =	vld [tilespmem:s8+$0x230];
	[tilespmem:s5+$0x8240] =	vst v3;
	v1 =	vadd.f32 v1, v7  }
0x76: {  	v3 =	vld [tilespmem:s8+$0x240];
	[tilespmem:s5+$0x8250] =	vst v2;
	v0 =	vadd.f32 v0, v10  }
0x77: {  	v2 =	vld [tilespmem:s8+$0x250];
	[tilespmem:s5+$0x8260] =	vst v1  }
0x78: {  	v1 =	vld [tilespmem:s8+$0x260];
	[tilespmem:s5+$0x8270] =	vst v0;
	s5 =	smov.u32 s8  }
0x79: {  	v0 =	vld [tilespmem:s5+$0x270]  }
0x7a: {  	v6 =	vld [tilespmem:s5+$0x8200]  }
0x7b: {  	v7 =	vld [tilespmem:s5+$0x8210]  }
.Ltmp1:
0x7c: {  	v10 =	vld [tilespmem:s5+$0x8220];
	(pc) =	sbr.rel @p0 .LBB2_4-.Ltmp1, $4  }
0x7d: {  	v9 =	vld [tilespmem:s5+$0x8230]  }
0x7e: {  	v8 =	vld [tilespmem:s5+$0x8240]  }
0x7f: {  	v12 =	vadd.f32 v12, v6;
	v6 =	vld [tilespmem:s5+$0x8250]  }
0x80: {  	s6 =	sadd.s32 $0x200, s6;
	v11 =	vadd.f32 v11, v7;
	v7 =	vld [tilespmem:s5+$0x8260]  }
0x81: {  	[tilespmem:s5+$0x8200] =	vst v12;
	v5 =	vadd.f32 v5, v10;
	v10 =	vld [tilespmem:s5+$0x8270]  }
0x82: {  	[tilespmem:s5+$0x8210] =	vst v11;
	v4 =	vadd.f32 v4, v9  }
0x83: {  	[tilespmem:s5+$0x8220] =	vst v5;
	v3 =	vadd.f32 v3, v8  }
0x84: {  	[tilespmem:s5+$0x8230] =	vst v4;
	v2 =	vadd.f32 v2, v6  }
0x85: {  	[tilespmem:s5+$0x8240] =	vst v3;
	v1 =	vadd.f32 v1, v7  }
0x86: {  	[tilespmem:s5+$0x8250] =	vst v2;
	v0 =	vadd.f32 v0, v10  }
0x87: {  	[tilespmem:s5+$0x8260] =	vst v1  }
0x88: {  	s8 =	simm.s32 $0x0;
	[tilespmem:s5+$0x8270] =	vst v0  }
0x89: {  	[hbm4b:s10+s8] =	stream.linear.scatter [tilespmem:s22], [sflag:$0xA], $0x4000, $0x38;
	[tilespmem:$0x10200] =	vst v63  }
0x8a: {  	_ =	swait.ge [sflag:s31], $0x4000  }
0x8b: {  	[sflag:s31] =	ssyncset.done $0x0  }
0x8c: {  	s5 =	simm.s32 $0x0;
	[sflag:s31] =	ssyncadd.s32 $0xFFFFC000  }
0x8d: {  	v7 =	vld [tilespmem:s5+$0x200]  }
0x8e: {  	v11 =	vld [tilespmem:s5+$0x210]  }
0x8f: {  	v5 =	vld [tilespmem:s5+$0x220]  }
0x90: {  	v4 =	vld [tilespmem:s5+$0x230]  }
0x91: {  	v3 =	vld [tilespmem:s5+$0x240]  }
0x92: {  	v2 =	vld [tilespmem:s5+$0x250]  }
0x93: {  	v1 =	vld [tilespmem:s5+$0x260]  }
0x94: {  	v0 =	vld [tilespmem:s5+$0x270]  }
0x95: {  	v12 =	vld [tilespmem:s5+$0xC200]  }
0x96: {  	v13 =	vld [tilespmem:s5+$0xC210]  }
0x97: {  	v10 =	vld [tilespmem:s5+$0xC220]  }
0x98: {  	v9 =	vld [tilespmem:s5+$0xC230]  }
0x99: {  	v8 =	vld [tilespmem:s5+$0xC240]  }
0x9a: {  	v6 =	vld [tilespmem:s5+$0xC250];
	v12 =	vadd.f32 v7, v12  }
0x9b: {  	s6 =	simm.s32 $0x200;
	v11 =	vadd.f32 v11, v13;
	v7 =	vld [tilespmem:s5+$0xC260]  }
.LBB2_6:
0x9c: {  	s8 =	sshra.s32 s6, $0x2;
	p0 =	sne.s32 s6, $0xFE00;
	[tilespmem:s5+$0xC200] =	vst v12;
	v5 =	vadd.f32 v5, v10;
	v10 =	vld [tilespmem:s5+$0xC270]  }
0x9d: {  	v12 =	vld [tilespmem:s8+$0x200];
	[tilespmem:s5+$0xC210] =	vst v11;
	v4 =	vadd.f32 v4, v9  }
0x9e: {  	v11 =	vld [tilespmem:s8+$0x210];
	[tilespmem:s5+$0xC220] =	vst v5;
	v3 =	vadd.f32 v3, v8  }
0x9f: {  	v5 =	vld [tilespmem:s8+$0x220];
	[tilespmem:s5+$0xC230] =	vst v4;
	v2 =	vadd.f32 v2, v6  }
0xa0: {  	v4 =	vld [tilespmem:s8+$0x230];
	[tilespmem:s5+$0xC240] =	vst v3;
	v1 =	vadd.f32 v1, v7  }
0xa1: {  	v3 =	vld [tilespmem:s8+$0x240];
	[tilespmem:s5+$0xC250] =	vst v2;
	v0 =	vadd.f32 v0, v10  }
0xa2: {  	v2 =	vld [tilespmem:s8+$0x250];
	[tilespmem:s5+$0xC260] =	vst v1  }
0xa3: {  	v1 =	vld [tilespmem:s8+$0x260];
	[tilespmem:s5+$0xC270] =	vst v0;
	s5 =	smov.u32 s8  }
0xa4: {  	v0 =	vld [tilespmem:s5+$0x270]  }
0xa5: {  	v6 =	vld [tilespmem:s5+$0xC200]  }
0xa6: {  	v7 =	vld [tilespmem:s5+$0xC210]  }
.Ltmp2:
0xa7: {  	v10 =	vld [tilespmem:s5+$0xC220];
	(pc) =	sbr.rel @p0 .LBB2_6-.Ltmp2, $4  }
0xa8: {  	v9 =	vld [tilespmem:s5+$0xC230]  }
0xa9: {  	v8 =	vld [tilespmem:s5+$0xC240]  }
0xaa: {  	v12 =	vadd.f32 v12, v6;
	v6 =	vld [tilespmem:s5+$0xC250]  }
0xab: {  	s6 =	sadd.s32 $0x200, s6;
	v11 =	vadd.f32 v11, v7;
	v7 =	vld [tilespmem:s5+$0xC260]  }
0xac: {  	[tilespmem:s5+$0xC200] =	vst v12;
	v5 =	vadd.f32 v5, v10;
	v10 =	vld [tilespmem:s5+$0xC270]  }
0xad: {  	[tilespmem:s5+$0xC210] =	vst v11;
	v4 =	vadd.f32 v4, v9  }
0xae: {  	[tilespmem:s5+$0xC220] =	vst v5;
	v3 =	vadd.f32 v3, v8  }
0xaf: {  	[tilespmem:s5+$0xC230] =	vst v4;
	v2 =	vadd.f32 v2, v6  }
0xb0: {  	[tilespmem:s5+$0xC240] =	vst v3;
	v1 =	vadd.f32 v1, v7  }
0xb1: {  	[tilespmem:s5+$0xC250] =	vst v2;
	v0 =	vadd.f32 v0, v10  }
0xb2: {  	[tilespmem:s5+$0xC260] =	vst v1  }
0xb3: {  	s8 =	simm.s32 $0x0;
	[tilespmem:s5+$0xC270] =	vst v0  }
0xb4: {  	[hbm4b:s11+s8] =	stream.linear.scatter [tilespmem:s26], [sflag:$0xB], $0x4000, $0x38;
	[tilespmem:$0x10200] =	vst v63  }
0xb5: {  	_ =	swait.ge [sflag:s24], $0x4000  }
0xb6: {  	[sflag:s24] =	ssyncset.done $0x0  }
0xb7: {  	s5 =	simm.s32 $0x0;
	[sflag:s24] =	ssyncadd.s32 $0xFFFFC000  }
0xb8: {  	v7 =	vld [tilespmem:s5+$0x200]  }
0xb9: {  	v11 =	vld [tilespmem:s5+$0x210]  }
0xba: {  	v5 =	vld [tilespmem:s5+$0x220]  }
0xbb: {  	v4 =	vld [tilespmem:s5+$0x230]  }
0xbc: {  	v3 =	vld [tilespmem:s5+$0x240]  }
0xbd: {  	v2 =	vld [tilespmem:s5+$0x250]  }
0xbe: {  	v1 =	vld [tilespmem:s5+$0x260]  }
0xbf: {  	v0 =	vld [tilespmem:s5+$0x270]  }
0xc0: {  	v12 =	vld [tilespmem:s5+$0x4200]  }
0xc1: {  	v13 =	vld [tilespmem:s5+$0x4210]  }
0xc2: {  	v10 =	vld [tilespmem:s5+$0x4220]  }
0xc3: {  	v9 =	vld [tilespmem:s5+$0x4230]  }
0xc4: {  	v8 =	vld [tilespmem:s5+$0x4240]  }
0xc5: {  	v6 =	vld [tilespmem:s5+$0x4250];
	v12 =	vadd.f32 v7, v12  }
0xc6: {  	s6 =	simm.s32 $0x200;
	v11 =	vadd.f32 v11, v13;
	v7 =	vld [tilespmem:s5+$0x4260]  }
.LBB2_8:
0xc7: {  	s8 =	sshra.s32 s6, $0x2;
	p0 =	sne.s32 s6, $0x7E00;
	[tilespmem:s5+$0x4200] =	vst v12;
	v5 =	vadd.f32 v5, v10;
	v10 =	vld [tilespmem:s5+$0x4270]  }
0xc8: {  	v12 =	vld [tilespmem:s8+$0x200];
	[tilespmem:s5+$0x4210] =	vst v11;
	v4 =	vadd.f32 v4, v9  }
0xc9: {  	v11 =	vld [tilespmem:s8+$0x210];
	[tilespmem:s5+$0x4220] =	vst v5;
	v3 =	vadd.f32 v3, v8  }
0xca: {  	v5 =	vld [tilespmem:s8+$0x220];
	[tilespmem:s5+$0x4230] =	vst v4;
	v2 =	vadd.f32 v2, v6  }
0xcb: {  	v4 =	vld [tilespmem:s8+$0x230];
	[tilespmem:s5+$0x4240] =	vst v3;
	v1 =	vadd.f32 v1, v7  }
0xcc: {  	v3 =	vld [tilespmem:s8+$0x240];
	[tilespmem:s5+$0x4250] =	vst v2;
	v0 =	vadd.f32 v0, v10  }
0xcd: {  	v2 =	vld [tilespmem:s8+$0x250];
	[tilespmem:s5+$0x4260] =	vst v1  }
0xce: {  	v1 =	vld [tilespmem:s8+$0x260];
	[tilespmem:s5+$0x4270] =	vst v0;
	s5 =	smov.u32 s8  }
0xcf: {  	v0 =	vld [tilespmem:s5+$0x270]  }
0xd0: {  	v6 =	vld [tilespmem:s5+$0x4200]  }
0xd1: {  	v7 =	vld [tilespmem:s5+$0x4210]  }
.Ltmp3:
0xd2: {  	v10 =	vld [tilespmem:s5+$0x4220];
	(pc) =	sbr.rel @p0 .LBB2_8-.Ltmp3, $4  }
0xd3: {  	v9 =	vld [tilespmem:s5+$0x4230]  }
0xd4: {  	v8 =	vld [tilespmem:s5+$0x4240]  }
0xd5: {  	v12 =	vadd.f32 v12, v6;
	v6 =	vld [tilespmem:s5+$0x4250]  }
0xd6: {  	s6 =	sadd.s32 $0x200, s6;
	v11 =	vadd.f32 v11, v7;
	v7 =	vld [tilespmem:s5+$0x4260]  }
0xd7: {  	[tilespmem:s5+$0x4200] =	vst v12;
	v5 =	vadd.f32 v5, v10;
	v10 =	vld [tilespmem:s5+$0x4270]  }
0xd8: {  	[tilespmem:s5+$0x4210] =	vst v11;
	v4 =	vadd.f32 v4, v9  }
0xd9: {  	[tilespmem:s5+$0x4220] =	vst v5;
	v3 =	vadd.f32 v3, v8  }
0xda: {  	[tilespmem:s5+$0x4230] =	vst v4;
	v2 =	vadd.f32 v2, v6  }
0xdb: {  	[tilespmem:s5+$0x4240] =	vst v3;
	v1 =	vadd.f32 v1, v7  }
0xdc: {  	[tilespmem:s5+$0x4250] =	vst v2;
	v0 =	vadd.f32 v0, v10  }
0xdd: {  	[tilespmem:s5+$0x4260] =	vst v1  }
0xde: {  	s8 =	simm.s32 $0x0;
	[tilespmem:s5+$0x4270] =	vst v0;
	s5 =	simm.s32 $0x0  }
0xdf: {  	[hbm4b:s12+s8] =	stream.linear.scatter [tilespmem:s20], [sflag:$0x1], $0x2000, $0x38;
	[tilespmem:$0x10200] =	vst v63  }
0xe0: {  	v7 =	vld [tilespmem:s5+$0x2200]  }
0xe1: {  	v11 =	vld [tilespmem:s5+$0x2210]  }
0xe2: {  	v5 =	vld [tilespmem:s5+$0x2220]  }
0xe3: {  	v4 =	vld [tilespmem:s5+$0x2230]  }
0xe4: {  	v3 =	vld [tilespmem:s5+$0x2240]  }
0xe5: {  	v2 =	vld [tilespmem:s5+$0x2250]  }
0xe6: {  	v1 =	vld [tilespmem:s5+$0x2260]  }
0xe7: {  	v0 =	vld [tilespmem:s5+$0x2270]  }
0xe8: {  	v12 =	vld [tilespmem:s5+$0x6200]  }
0xe9: {  	v13 =	vld [tilespmem:s5+$0x6210]  }
0xea: {  	v10 =	vld [tilespmem:s5+$0x6220]  }
0xeb: {  	v9 =	vld [tilespmem:s5+$0x6230]  }
0xec: {  	v8 =	vld [tilespmem:s5+$0x6240]  }
0xed: {  	v6 =	vld [tilespmem:s5+$0x6250];
	v12 =	vadd.f32 v7, v12  }
0xee: {  	s6 =	simm.s32 $0x200;
	v11 =	vadd.f32 v11, v13;
	v7 =	vld [tilespmem:s5+$0x6260]  }
.LBB2_10:
0xef: {  	s8 =	sshra.s32 s6, $0x2;
	p0 =	sne.s32 s6, $0x7E00;
	[tilespmem:s5+$0x6200] =	vst v12;
	v5 =	vadd.f32 v5, v10;
	v10 =	vld [tilespmem:s5+$0x6270]  }
0xf0: {  	v12 =	vld [tilespmem:s8+$0x2200];
	[tilespmem:s5+$0x6210] =	vst v11;
	v4 =	vadd.f32 v4, v9  }
0xf1: {  	v11 =	vld [tilespmem:s8+$0x2210];
	[tilespmem:s5+$0x6220] =	vst v5;
	v3 =	vadd.f32 v3, v8  }
0xf2: {  	v5 =	vld [tilespmem:s8+$0x2220];
	[tilespmem:s5+$0x6230] =	vst v4;
	v2 =	vadd.f32 v2, v6  }
0xf3: {  	v4 =	vld [tilespmem:s8+$0x2230];
	[tilespmem:s5+$0x6240] =	vst v3;
	v1 =	vadd.f32 v1, v7  }
0xf4: {  	v3 =	vld [tilespmem:s8+$0x2240];
	[tilespmem:s5+$0x6250] =	vst v2;
	v0 =	vadd.f32 v0, v10  }
0xf5: {  	v2 =	vld [tilespmem:s8+$0x2250];
	[tilespmem:s5+$0x6260] =	vst v1  }
0xf6: {  	v1 =	vld [tilespmem:s8+$0x2260];
	[tilespmem:s5+$0x6270] =	vst v0;
	s5 =	smov.u32 s8  }
0xf7: {  	v0 =	vld [tilespmem:s5+$0x2270]  }
0xf8: {  	v6 =	vld [tilespmem:s5+$0x6200]  }
0xf9: {  	v7 =	vld [tilespmem:s5+$0x6210]  }
.Ltmp4:
0xfa: {  	v10 =	vld [tilespmem:s5+$0x6220];
	(pc) =	sbr.rel @p0 .LBB2_10-.Ltmp4, $4  }
0xfb: {  	v9 =	vld [tilespmem:s5+$0x6230]  }
0xfc: {  	v8 =	vld [tilespmem:s5+$0x6240]  }
0xfd: {  	v12 =	vadd.f32 v12, v6;
	v6 =	vld [tilespmem:s5+$0x6250]  }
0xfe: {  	s6 =	sadd.s32 $0x200, s6;
	v11 =	vadd.f32 v11, v7;
	v7 =	vld [tilespmem:s5+$0x6260]  }
0xff: {  	[tilespmem:s5+$0x6200] =	vst v12;
	v5 =	vadd.f32 v5, v10;
	v63 =	vld [tilespmem:s5+$0x6270]  }
0x100: {  	[tilespmem:s5+$0x6210] =	vst v11;
	v4 =	vadd.f32 v4, v9  }
0x101: {  	[tilespmem:s5+$0x6220] =	vst v5;
	v3 =	vadd.f32 v3, v8  }
0x102: {  	[tilespmem:s5+$0x6230] =	vst v4;
	v2 =	vadd.f32 v2, v6  }
0x103: {  	[tilespmem:s5+$0x6240] =	vst v3;
	v1 =	vadd.f32 v1, v7  }
0x104: {  	[tilespmem:s5+$0x6250] =	vst v2;
	v0 =	vadd.f32 v0, v63  }
0x105: {  	[tilespmem:s5+$0x6260] =	vst v1  }
0x106: {  	s8 =	simm.s32 $0x6200;
	[tilespmem:s5+$0x6270] =	vst v0  }
0x107: {  	[hbm4b:s13+s3] =	stream.linear.scatter [tilespmem:s8], [sflag:$0x9], $0x2000, $0x38;
	[tilespmem:$0x10200] =	vst v63  }
0x108: {  	_ =	swait.ge [sflag:s19], $0x2000  }
0x109: {  	[sflag:s19] =	ssyncset.done $0x0  }
0x10a: {  	[sflag:s19] =	ssyncadd.s32 $0xFFFFE000  }
0x10b: {  	_ =	swait.ge [sflag:s2], $0x4000  }
0x10c: {  	[sflag:s2] =	ssyncset.done $0x0  }
0x10d: {  	s0 =	sadd.s32 $0x1, s0;
	[sflag:s2] =	ssyncadd.s32 $0xFFFFC000  }
0x10e: {  	p0 =	sne.s32 s0, s14;
	_ =	swait.ge [sflag:s15], $0x4000  }
.Ltmp5:
0x10f: {  	[sflag:s15] =	ssyncset.done $0x0;
	(pc) =	sbr.rel @p0 .LBB2_1-.Ltmp5, $4  }
0x110: {  	[sflag:s15] =	ssyncadd.s32 $0xFFFFC000  }
0x111: {  	_ =	swait.ge [sflag:s29], $0x2000  }
0x112: {  	[sflag:s29] =	ssyncset.done $0x0  }
0x113: {  	[sflag:s29] =	ssyncadd.s32 $0xFFFFE000  }
0x114: {  	_ =	sfence.sel $0x180000  }
0x115: {  	[bflag:$0x0] =	sbarrier.arrive $0xFFFF  }
0x116: {  	_ =	strace $0x90000047  }
0x117: {  	s0 =	stileid.u32;
	[bflag:$0x2] =	sbarrier.arrive $0xFFFF  }
0x118: {  	p0 =	sne.s32 s0, $0x0;
	s0 =	rddreg [dreg:$0x4]  }
0x119: {  	s0 =	sadd.s32 @!p0 $0x100000, s0  }
0x11a: {  	[sflag:s0] =	ssyncadd.tile.s32 @!p0 $0x1;
	_ =	shalt  }
.Lfunc_end2:
_tile_overlayer_lowered:
.L_overlay_start_2:
0x11b: {  	(tag) =	ssettag $0x2  }
0x11c: {  	s0 =	rddreg [dreg:$0x0];
	s2 =	stileid.u32  }
0x11d: {  	s1 =	rddreg [dreg:$0x1];
	p0 =	sne.s32 s2, $0x0  }
0x11e: {  	s3 =	rddreg [dreg:$0x2];
	[bflag:$0x3] =	sbarrier.arrive $0xFFFF;
	s2 =	simm.s32 @!p0 $0x1C0C  }
0x11f: {  	[timem:s3], [sflag:s2] =	dma.local @!p0 [hbm:s0], s1  }
0x120: {  	s0 =	simm.s32 @!p0 $0xC  }
0x121: {  	_ =	swait.ge @!p0 [sflag:s0], s1  }
0x122: {  	s1 =	ssub.s32 @!p0 $0x0, s1;
	[sflag:s0] =	ssyncset.done @!p0 $0x0  }
0x123: {  	[sflag:s0] =	ssyncadd.s32 @!p0 s1  }
0x124: {  	[bflag:$0x3] =	sbarrier.arrive $0xFFFF  }
0x125: {  	_ =	shalt  }

</sc_bundles>
